<compile_context>
chip_gen: v7x
topology: tpu7x:2x2x1
jax: 0.10.2.dev20260603
libtpu: 0.0.44.dev20260713+nightly
codegen_flags: <defaults>
</compile_context>

<pallas_src>
import functools

import numpy as np

import jax
import jax.numpy as jnp
from jax import lax
from jax.experimental import pallas as pl
from jax.experimental.pallas import tpu as pltpu
from jax.experimental.pallas import tpu_sc as plsc

MAX_SEQ_LENGTH = 8192
HIDDEN_SIZE = 1024

_INFO = plsc.get_sparse_core_info()
_NC, _NS = _INFO.num_cores, _INFO.num_subcores
_NW = _NC * _NS
_ROWS_PER_W = MAX_SEQ_LENGTH // _NW
_CHUNK = 32
_N_CHUNKS = _ROWS_PER_W // _CHUNK

_IDX = np.arange(MAX_SEQ_LENGTH, dtype=np.int32)

_MESH = plsc.VectorSubcoreMesh(core_axis_name="c", subcore_axis_name="s")


@functools.partial(
    pl.kernel, mesh=_MESH,
    out_type=jax.ShapeDtypeStruct((MAX_SEQ_LENGTH, HIDDEN_SIZE), jnp.float32),
    scratch_types=[
        pltpu.MemorySpace.VMEM((_CHUNK,), jnp.int32),
        pltpu.MemorySpace.VMEM((_CHUNK, HIDDEN_SIZE), jnp.float32),
        pltpu.SemaphoreType.DMA,
    ],
)
def _sc_gather(table_hbm, idx_hbm, out_hbm, idx_v, rows_v, sem):
    wid = lax.axis_index("s") * _NC + lax.axis_index("c")
    base = wid * _ROWS_PER_W
    for c in range(_N_CHUNKS):
        off = base + c * _CHUNK
        pltpu.sync_copy(idx_hbm.at[pl.ds(off, _CHUNK)], idx_v)
        pltpu.async_copy(table_hbm.at[idx_v], rows_v, sem).wait()
        pltpu.sync_copy(rows_v, out_hbm.at[pl.ds(off, _CHUNK)])


def kernel(inputs, table):
    del inputs
    return _sc_gather(table, jnp.asarray(_IDX))

# --- scband reference (transcript-rebuilt; emitter-appended) ---
"""Pipeline reference for scband-position-embedding-13305808683234 (READ-ONLY COPY).

The authoritative reference and input builder live on the scoring server;
editing this copy changes nothing except your own understanding.
"""

import jax, jax.numpy as jnp
import numpy as np

MAX_SEQ_LENGTH = 8192
HIDDEN_SIZE = 1024


def get_position_encoding_matrix(max_seq_length, hidden_size):
    # Vectorized but mathematically identical to the original nested-loop version.
    pos = np.arange(max_seq_length, dtype=np.float64)[:, None]
    j = np.arange(hidden_size, dtype=np.float64)[None, :]
    pe = pos / np.power(10000.0, 2.0 * (np.floor(j / 2.0)) / hidden_size)
    pe[0, :] = 0.0  # pos == 0 row is zeros in the original
    pe[1:, 0::2] = np.sin(pe[1:, 0::2])
    pe[1:, 1::2] = np.cos(pe[1:, 1::2])
    return pe.astype(np.float32)


def setup_inputs(seed: int = 0) -> dict:
    key = jax.random.key(seed)
    inputs = jax.random.randint(key, (2, MAX_SEQ_LENGTH), 0, 32000, dtype=jnp.int32)
    table = jnp.asarray(get_position_encoding_matrix(MAX_SEQ_LENGTH, HIDDEN_SIZE))
    return {"inputs": inputs, "table": table}


def reference(inputs, table):
    # seq_length = tf.shape(inputs)[1]
    seq_length = inputs.shape[1]
    # position_embedding = self.position_embedding(tf.range(seq_length)) -> row gather
    position_embedding = jnp.take(table, jnp.arange(seq_length), axis=0)
    position_embedding = jnp.reshape(position_embedding, (seq_length, HIDDEN_SIZE))
    # Dropout is identity at inference time.
    return position_embedding

if __name__ == "__main__":
    import jax
    _d = setup_inputs()
    print(jax.jit(kernel)(*tuple(_d.values())))

</pallas_src>

<mosaic_0001>
#map = affine_map<(d0, d1) -> (0, 0)>
#map1 = affine_map<(d0, d1) -> (0)>
module attributes {stable_mosaic.version = 14 : i64} {
  func.func @_sc_gather(%arg0: i32, %arg1: i32, %arg2: memref<8192x1024xf32, #tpu.memory_space<hbm>>, %arg3: memref<8192xi32, #tpu.memory_space<hbm>>, %arg4: memref<8192x1024xf32, #tpu.memory_space<hbm>>, %arg5: memref<32xi32, #tpu.memory_space<vmem>>, %arg6: memref<32x1024xf32, #tpu.memory_space<vmem>>, %arg7: memref<!tpu.dma_semaphore, #tpu.memory_space<semaphore_mem>>) attributes {dimension_semantics = [#tpu.dimension_semantics<core_parallel>, #tpu.dimension_semantics<subcore_parallel>], iteration_bounds = array<i64: 2, 16>, scalar_prefetch = 0 : i64, scratch_operands = 3 : i64, tpu.core_type = #tpu.core_type<sc_vector_subcore>, window_params = [{transform_indices = #map}, {transform_indices = #map1}, {transform_indices = #map}]} {
    %mul3A = arith.constant 2 : i32
    %mul3A_0 = arith.muli %arg1, %mul3A : i32
    %add3A = arith.addi %mul3A_0, %arg0 : i32
    %mul3A_1 = arith.constant 256 : i32
    %mul3A_2 = arith.muli %add3A, %mul3A_1 : i32
    %add3A_3 = arith.constant 0 : i32
    %add3A_4 = arith.addi %mul3A_2, %add3A_3 : i32
    "tpu.region"() ({
      %run_scoped3A = tpu.sem_alloc : memref<!tpu.dma_semaphore, #tpu.memory_space<semaphore_mem>>
      %dma_start3A_65 = tpu.memref_slice %arg3[%add3A_4] : memref<8192xi32, #tpu.memory_space<hbm>> -> memref<32xi32, #tpu.memory_space<hbm>>
      %dma_start3A_66 = tpu.memref_slice %arg3[%add3A_4] : memref<8192xi32, #tpu.memory_space<hbm>> -> memref<32xi32, #tpu.memory_space<hbm>>
      tpu.enqueue_dma source(%dma_start3A_66 : memref<32xi32, #tpu.memory_space<hbm>>) target(%arg5 : memref<32xi32, #tpu.memory_space<vmem>>) target_semaphore(%run_scoped3A : memref<!tpu.dma_semaphore, #tpu.memory_space<semaphore_mem>>)
      %dma_wait3A_67 = tpu.memref_slice %arg3[%add3A_4] : memref<8192xi32, #tpu.memory_space<hbm>> -> memref<32xi32, #tpu.memory_space<hbm>>
      %dma_wait3A_68 = tpu.memref_slice %arg3[%add3A_4] : memref<8192xi32, #tpu.memory_space<hbm>> -> memref<32xi32, #tpu.memory_space<hbm>>
      tpu.wait_dma2 semaphore(%run_scoped3A : memref<!tpu.dma_semaphore, #tpu.memory_space<semaphore_mem>>) src(%dma_wait3A_68 : memref<32xi32, #tpu.memory_space<hbm>>) dst(%arg5 : memref<32xi32, #tpu.memory_space<vmem>>)
      tpu.yield
    }) : () -> ()
    %dma_start3A = arith.constant 0 : i32
    %dma_start3A_5 = arith.constant 0 : i32
    %dma_start3A_6 = tpu.memref_slice %arg2[%dma_start3A, %dma_start3A_5] : memref<8192x1024xf32, #tpu.memory_space<hbm>> -> memref<8192x1024xf32, #tpu.memory_space<hbm>>
    tpu.enqueue_indirect_dma source(%dma_start3A_6 : memref<8192x1024xf32, #tpu.memory_space<hbm>>) target(%arg6 : memref<32x1024xf32, #tpu.memory_space<vmem>>) offsets(%arg5 : memref<32xi32, #tpu.memory_space<vmem>>) semaphore(%arg7 : memref<!tpu.dma_semaphore, #tpu.memory_space<semaphore_mem>>)
    %dma_wait3A = arith.constant 0 : i32
    %dma_wait3A_7 = arith.constant 0 : i32
    %dma_wait3A_8 = tpu.memref_slice %arg2[%dma_wait3A, %dma_wait3A_7] : memref<8192x1024xf32, #tpu.memory_space<hbm>> -> memref<8192x1024xf32, #tpu.memory_space<hbm>>
    tpu.wait_indirect_dma semaphore(%arg7 : memref<!tpu.dma_semaphore, #tpu.memory_space<semaphore_mem>>) src(%dma_wait3A_8 : memref<8192x1024xf32, #tpu.memory_space<hbm>>) dst(%arg6 : memref<32x1024xf32, #tpu.memory_space<vmem>>)
    "tpu.region"() ({
      %run_scoped3A = tpu.sem_alloc : memref<!tpu.dma_semaphore, #tpu.memory_space<semaphore_mem>>
      %dma_start3A_65 = arith.constant 0 : i32
      %dma_start3A_66 = tpu.memref_slice %arg4[%add3A_4, %dma_start3A_65] : memref<8192x1024xf32, #tpu.memory_space<hbm>> -> memref<32x1024xf32, #tpu.memory_space<hbm>>
      %dma_start3A_67 = arith.constant 0 : i32
      %dma_start3A_68 = tpu.memref_slice %arg4[%add3A_4, %dma_start3A_67] : memref<8192x1024xf32, #tpu.memory_space<hbm>> -> memref<32x1024xf32, #tpu.memory_space<hbm>>
      tpu.enqueue_dma source(%arg6 : memref<32x1024xf32, #tpu.memory_space<vmem>>) target(%dma_start3A_68 : memref<32x1024xf32, #tpu.memory_space<hbm>>) target_semaphore(%run_scoped3A : memref<!tpu.dma_semaphore, #tpu.memory_space<semaphore_mem>>)
      %dma_wait3A_69 = arith.constant 0 : i32
      %dma_wait3A_70 = tpu.memref_slice %arg4[%add3A_4, %dma_wait3A_69] : memref<8192x1024xf32, #tpu.memory_space<hbm>> -> memref<32x1024xf32, #tpu.memory_space<hbm>>
      %dma_wait3A_71 = arith.constant 0 : i32
      %dma_wait3A_72 = tpu.memref_slice %arg4[%add3A_4, %dma_wait3A_71] : memref<8192x1024xf32, #tpu.memory_space<hbm>> -> memref<32x1024xf32, #tpu.memory_space<hbm>>
      tpu.wait_dma2 semaphore(%run_scoped3A : memref<!tpu.dma_semaphore, #tpu.memory_space<semaphore_mem>>) src(%arg6 : memref<32x1024xf32, #tpu.memory_space<vmem>>) dst(%dma_wait3A_72 : memref<32x1024xf32, #tpu.memory_space<hbm>>)
      tpu.yield
    }) : () -> ()
    %add3A_9 = arith.constant 32 : i32
    %add3A_10 = arith.addi %mul3A_2, %add3A_9 : i32
    "tpu.region"() ({
      %run_scoped3A = tpu.sem_alloc : memref<!tpu.dma_semaphore, #tpu.memory_space<semaphore_mem>>
      %dma_start3A_65 = tpu.memref_slice %arg3[%add3A_10] : memref<8192xi32, #tpu.memory_space<hbm>> -> memref<32xi32, #tpu.memory_space<hbm>>
      %dma_start3A_66 = tpu.memref_slice %arg3[%add3A_10] : memref<8192xi32, #tpu.memory_space<hbm>> -> memref<32xi32, #tpu.memory_space<hbm>>
      tpu.enqueue_dma source(%dma_start3A_66 : memref<32xi32, #tpu.memory_space<hbm>>) target(%arg5 : memref<32xi32, #tpu.memory_space<vmem>>) target_semaphore(%run_scoped3A : memref<!tpu.dma_semaphore, #tpu.memory_space<semaphore_mem>>)
      %dma_wait3A_67 = tpu.memref_slice %arg3[%add3A_10] : memref<8192xi32, #tpu.memory_space<hbm>> -> memref<32xi32, #tpu.memory_space<hbm>>
      %dma_wait3A_68 = tpu.memref_slice %arg3[%add3A_10] : memref<8192xi32, #tpu.memory_space<hbm>> -> memref<32xi32, #tpu.memory_space<hbm>>
      tpu.wait_dma2 semaphore(%run_scoped3A : memref<!tpu.dma_semaphore, #tpu.memory_space<semaphore_mem>>) src(%dma_wait3A_68 : memref<32xi32, #tpu.memory_space<hbm>>) dst(%arg5 : memref<32xi32, #tpu.memory_space<vmem>>)
      tpu.yield
    }) : () -> ()
    %dma_start3A_11 = arith.constant 0 : i32
    %dma_start3A_12 = arith.constant 0 : i32
    %dma_start3A_13 = tpu.memref_slice %arg2[%dma_start3A_11, %dma_start3A_12] : memref<8192x1024xf32, #tpu.memory_space<hbm>> -> memref<8192x1024xf32, #tpu.memory_space<hbm>>
    tpu.enqueue_indirect_dma source(%dma_start3A_13 : memref<8192x1024xf32, #tpu.memory_space<hbm>>) target(%arg6 : memref<32x1024xf32, #tpu.memory_space<vmem>>) offsets(%arg5 : memref<32xi32, #tpu.memory_space<vmem>>) semaphore(%arg7 : memref<!tpu.dma_semaphore, #tpu.memory_space<semaphore_mem>>)
    %dma_wait3A_14 = arith.constant 0 : i32
    %dma_wait3A_15 = arith.constant 0 : i32
    %dma_wait3A_16 = tpu.memref_slice %arg2[%dma_wait3A_14, %dma_wait3A_15] : memref<8192x1024xf32, #tpu.memory_space<hbm>> -> memref<8192x1024xf32, #tpu.memory_space<hbm>>
    tpu.wait_indirect_dma semaphore(%arg7 : memref<!tpu.dma_semaphore, #tpu.memory_space<semaphore_mem>>) src(%dma_wait3A_16 : memref<8192x1024xf32, #tpu.memory_space<hbm>>) dst(%arg6 : memref<32x1024xf32, #tpu.memory_space<vmem>>)
    "tpu.region"() ({
      %run_scoped3A = tpu.sem_alloc : memref<!tpu.dma_semaphore, #tpu.memory_space<semaphore_mem>>
      %dma_start3A_65 = arith.constant 0 : i32
      %dma_start3A_66 = tpu.memref_slice %arg4[%add3A_10, %dma_start3A_65] : memref<8192x1024xf32, #tpu.memory_space<hbm>> -> memref<32x1024xf32, #tpu.memory_space<hbm>>
      %dma_start3A_67 = arith.constant 0 : i32
      %dma_start3A_68 = tpu.memref_slice %arg4[%add3A_10, %dma_start3A_67] : memref<8192x1024xf32, #tpu.memory_space<hbm>> -> memref<32x1024xf32, #tpu.memory_space<hbm>>
      tpu.enqueue_dma source(%arg6 : memref<32x1024xf32, #tpu.memory_space<vmem>>) target(%dma_start3A_68 : memref<32x1024xf32, #tpu.memory_space<hbm>>) target_semaphore(%run_scoped3A : memref<!tpu.dma_semaphore, #tpu.memory_space<semaphore_mem>>)
      %dma_wait3A_69 = arith.constant 0 : i32
      %dma_wait3A_70 = tpu.memref_slice %arg4[%add3A_10, %dma_wait3A_69] : memref<8192x1024xf32, #tpu.memory_space<hbm>> -> memref<32x1024xf32, #tpu.memory_space<hbm>>
      %dma_wait3A_71 = arith.constant 0 : i32
      %dma_wait3A_72 = tpu.memref_slice %arg4[%add3A_10, %dma_wait3A_71] : memref<8192x1024xf32, #tpu.memory_space<hbm>> -> memref<32x1024xf32, #tpu.memory_space<hbm>>
      tpu.wait_dma2 semaphore(%run_scoped3A : memref<!tpu.dma_semaphore, #tpu.memory_space<semaphore_mem>>) src(%arg6 : memref<32x1024xf32, #tpu.memory_space<vmem>>) dst(%dma_wait3A_72 : memref<32x1024xf32, #tpu.memory_space<hbm>>)
      tpu.yield
    }) : () -> ()
    %add3A_17 = arith.constant 64 : i32
    %add3A_18 = arith.addi %mul3A_2, %add3A_17 : i32
    "tpu.region"() ({
      %run_scoped3A = tpu.sem_alloc : memref<!tpu.dma_semaphore, #tpu.memory_space<semaphore_mem>>
      %dma_start3A_65 = tpu.memref_slice %arg3[%add3A_18] : memref<8192xi32, #tpu.memory_space<hbm>> -> memref<32xi32, #tpu.memory_space<hbm>>
      %dma_start3A_66 = tpu.memref_slice %arg3[%add3A_18] : memref<8192xi32, #tpu.memory_space<hbm>> -> memref<32xi32, #tpu.memory_space<hbm>>
      tpu.enqueue_dma source(%dma_start3A_66 : memref<32xi32, #tpu.memory_space<hbm>>) target(%arg5 : memref<32xi32, #tpu.memory_space<vmem>>) target_semaphore(%run_scoped3A : memref<!tpu.dma_semaphore, #tpu.memory_space<semaphore_mem>>)
      %dma_wait3A_67 = tpu.memref_slice %arg3[%add3A_18] : memref<8192xi32, #tpu.memory_space<hbm>> -> memref<32xi32, #tpu.memory_space<hbm>>
      %dma_wait3A_68 = tpu.memref_slice %arg3[%add3A_18] : memref<8192xi32, #tpu.memory_space<hbm>> -> memref<32xi32, #tpu.memory_space<hbm>>
      tpu.wait_dma2 semaphore(%run_scoped3A : memref<!tpu.dma_semaphore, #tpu.memory_space<semaphore_mem>>) src(%dma_wait3A_68 : memref<32xi32, #tpu.memory_space<hbm>>) dst(%arg5 : memref<32xi32, #tpu.memory_space<vmem>>)
      tpu.yield
    }) : () -> ()
    %dma_start3A_19 = arith.constant 0 : i32
    %dma_start3A_20 = arith.constant 0 : i32
    %dma_start3A_21 = tpu.memref_slice %arg2[%dma_start3A_19, %dma_start3A_20] : memref<8192x1024xf32, #tpu.memory_space<hbm>> -> memref<8192x1024xf32, #tpu.memory_space<hbm>>
    tpu.enqueue_indirect_dma source(%dma_start3A_21 : memref<8192x1024xf32, #tpu.memory_space<hbm>>) target(%arg6 : memref<32x1024xf32, #tpu.memory_space<vmem>>) offsets(%arg5 : memref<32xi32, #tpu.memory_space<vmem>>) semaphore(%arg7 : memref<!tpu.dma_semaphore, #tpu.memory_space<semaphore_mem>>)
    %dma_wait3A_22 = arith.constant 0 : i32
    %dma_wait3A_23 = arith.constant 0 : i32
    %dma_wait3A_24 = tpu.memref_slice %arg2[%dma_wait3A_22, %dma_wait3A_23] : memref<8192x1024xf32, #tpu.memory_space<hbm>> -> memref<8192x1024xf32, #tpu.memory_space<hbm>>
    tpu.wait_indirect_dma semaphore(%arg7 : memref<!tpu.dma_semaphore, #tpu.memory_space<semaphore_mem>>) src(%dma_wait3A_24 : memref<8192x1024xf32, #tpu.memory_space<hbm>>) dst(%arg6 : memref<32x1024xf32, #tpu.memory_space<vmem>>)
    "tpu.region"() ({
      %run_scoped3A = tpu.sem_alloc : memref<!tpu.dma_semaphore, #tpu.memory_space<semaphore_mem>>
      %dma_start3A_65 = arith.constant 0 : i32
      %dma_start3A_66 = tpu.memref_slice %arg4[%add3A_18, %dma_start3A_65] : memref<8192x1024xf32, #tpu.memory_space<hbm>> -> memref<32x1024xf32, #tpu.memory_space<hbm>>
      %dma_start3A_67 = arith.constant 0 : i32
      %dma_start3A_68 = tpu.memref_slice %arg4[%add3A_18, %dma_start3A_67] : memref<8192x1024xf32, #tpu.memory_space<hbm>> -> memref<32x1024xf32, #tpu.memory_space<hbm>>
      tpu.enqueue_dma source(%arg6 : memref<32x1024xf32, #tpu.memory_space<vmem>>) target(%dma_start3A_68 : memref<32x1024xf32, #tpu.memory_space<hbm>>) target_semaphore(%run_scoped3A : memref<!tpu.dma_semaphore, #tpu.memory_space<semaphore_mem>>)
      %dma_wait3A_69 = arith.constant 0 : i32
      %dma_wait3A_70 = tpu.memref_slice %arg4[%add3A_18, %dma_wait3A_69] : memref<8192x1024xf32, #tpu.memory_space<hbm>> -> memref<32x1024xf32, #tpu.memory_space<hbm>>
      %dma_wait3A_71 = arith.constant 0 : i32
      %dma_wait3A_72 = tpu.memref_slice %arg4[%add3A_18, %dma_wait3A_71] : memref<8192x1024xf32, #tpu.memory_space<hbm>> -> memref<32x1024xf32, #tpu.memory_space<hbm>>
      tpu.wait_dma2 semaphore(%run_scoped3A : memref<!tpu.dma_semaphore, #tpu.memory_space<semaphore_mem>>) src(%arg6 : memref<32x1024xf32, #tpu.memory_space<vmem>>) dst(%dma_wait3A_72 : memref<32x1024xf32, #tpu.memory_space<hbm>>)
      tpu.yield
    }) : () -> ()
    %add3A_25 = arith.constant 96 : i32
    %add3A_26 = arith.addi %mul3A_2, %add3A_25 : i32
    "tpu.region"() ({
      %run_scoped3A = tpu.sem_alloc : memref<!tpu.dma_semaphore, #tpu.memory_space<semaphore_mem>>
      %dma_start3A_65 = tpu.memref_slice %arg3[%add3A_26] : memref<8192xi32, #tpu.memory_space<hbm>> -> memref<32xi32, #tpu.memory_space<hbm>>
      %dma_start3A_66 = tpu.memref_slice %arg3[%add3A_26] : memref<8192xi32, #tpu.memory_space<hbm>> -> memref<32xi32, #tpu.memory_space<hbm>>
      tpu.enqueue_dma source(%dma_start3A_66 : memref<32xi32, #tpu.memory_space<hbm>>) target(%arg5 : memref<32xi32, #tpu.memory_space<vmem>>) target_semaphore(%run_scoped3A : memref<!tpu.dma_semaphore, #tpu.memory_space<semaphore_mem>>)
      %dma_wait3A_67 = tpu.memref_slice %arg3[%add3A_26] : memref<8192xi32, #tpu.memory_space<hbm>> -> memref<32xi32, #tpu.memory_space<hbm>>
      %dma_wait3A_68 = tpu.memref_slice %arg3[%add3A_26] : memref<8192xi32, #tpu.memory_space<hbm>> -> memref<32xi32, #tpu.memory_space<hbm>>
      tpu.wait_dma2 semaphore(%run_scoped3A : memref<!tpu.dma_semaphore, #tpu.memory_space<semaphore_mem>>) src(%dma_wait3A_68 : memref<32xi32, #tpu.memory_space<hbm>>) dst(%arg5 : memref<32xi32, #tpu.memory_space<vmem>>)
      tpu.yield
    }) : () -> ()
    %dma_start3A_27 = arith.constant 0 : i32
    %dma_start3A_28 = arith.constant 0 : i32
    %dma_start3A_29 = tpu.memref_slice %arg2[%dma_start3A_27, %dma_start3A_28] : memref<8192x1024xf32, #tpu.memory_space<hbm>> -> memref<8192x1024xf32, #tpu.memory_space<hbm>>
    tpu.enqueue_indirect_dma source(%dma_start3A_29 : memref<8192x1024xf32, #tpu.memory_space<hbm>>) target(%arg6 : memref<32x1024xf32, #tpu.memory_space<vmem>>) offsets(%arg5 : memref<32xi32, #tpu.memory_space<vmem>>) semaphore(%arg7 : memref<!tpu.dma_semaphore, #tpu.memory_space<semaphore_mem>>)
    %dma_wait3A_30 = arith.constant 0 : i32
    %dma_wait3A_31 = arith.constant 0 : i32
    %dma_wait3A_32 = tpu.memref_slice %arg2[%dma_wait3A_30, %dma_wait3A_31] : memref<8192x1024xf32, #tpu.memory_space<hbm>> -> memref<8192x1024xf32, #tpu.memory_space<hbm>>
    tpu.wait_indirect_dma semaphore(%arg7 : memref<!tpu.dma_semaphore, #tpu.memory_space<semaphore_mem>>) src(%dma_wait3A_32 : memref<8192x1024xf32, #tpu.memory_space<hbm>>) dst(%arg6 : memref<32x1024xf32, #tpu.memory_space<vmem>>)
    "tpu.region"() ({
      %run_scoped3A = tpu.sem_alloc : memref<!tpu.dma_semaphore, #tpu.memory_space<semaphore_mem>>
      %dma_start3A_65 = arith.constant 0 : i32
      %dma_start3A_66 = tpu.memref_slice %arg4[%add3A_26, %dma_start3A_65] : memref<8192x1024xf32, #tpu.memory_space<hbm>> -> memref<32x1024xf32, #tpu.memory_space<hbm>>
      %dma_start3A_67 = arith.constant 0 : i32
      %dma_start3A_68 = tpu.memref_slice %arg4[%add3A_26, %dma_start3A_67] : memref<8192x1024xf32, #tpu.memory_space<hbm>> -> memref<32x1024xf32, #tpu.memory_space<hbm>>
      tpu.enqueue_dma source(%arg6 : memref<32x1024xf32, #tpu.memory_space<vmem>>) target(%dma_start3A_68 : memref<32x1024xf32, #tpu.memory_space<hbm>>) target_semaphore(%run_scoped3A : memref<!tpu.dma_semaphore, #tpu.memory_space<semaphore_mem>>)
      %dma_wait3A_69 = arith.constant 0 : i32
      %dma_wait3A_70 = tpu.memref_slice %arg4[%add3A_26, %dma_wait3A_69] : memref<8192x1024xf32, #tpu.memory_space<hbm>> -> memref<32x1024xf32, #tpu.memory_space<hbm>>
      %dma_wait3A_71 = arith.constant 0 : i32
      %dma_wait3A_72 = tpu.memref_slice %arg4[%add3A_26, %dma_wait3A_71] : memref<8192x1024xf32, #tpu.memory_space<hbm>> -> memref<32x1024xf32, #tpu.memory_space<hbm>>
      tpu.wait_dma2 semaphore(%run_scoped3A : memref<!tpu.dma_semaphore, #tpu.memory_space<semaphore_mem>>) src(%arg6 : memref<32x1024xf32, #tpu.memory_space<vmem>>) dst(%dma_wait3A_72 : memref<32x1024xf32, #tpu.memory_space<hbm>>)
      tpu.yield
    }) : () -> ()
    %add3A_33 = arith.constant 128 : i32
    %add3A_34 = arith.addi %mul3A_2, %add3A_33 : i32
    "tpu.region"() ({
      %run_scoped3A = tpu.sem_alloc : memref<!tpu.dma_semaphore, #tpu.memory_space<semaphore_mem>>
      %dma_start3A_65 = tpu.memref_slice %arg3[%add3A_34] : memref<8192xi32, #tpu.memory_space<hbm>> -> memref<32xi32, #tpu.memory_space<hbm>>
      %dma_start3A_66 = tpu.memref_slice %arg3[%add3A_34] : memref<8192xi32, #tpu.memory_space<hbm>> -> memref<32xi32, #tpu.memory_space<hbm>>
      tpu.enqueue_dma source(%dma_start3A_66 : memref<32xi32, #tpu.memory_space<hbm>>) target(%arg5 : memref<32xi32, #tpu.memory_space<vmem>>) target_semaphore(%run_scoped3A : memref<!tpu.dma_semaphore, #tpu.memory_space<semaphore_mem>>)
      %dma_wait3A_67 = tpu.memref_slice %arg3[%add3A_34] : memref<8192xi32, #tpu.memory_space<hbm>> -> memref<32xi32, #tpu.memory_space<hbm>>
      %dma_wait3A_68 = tpu.memref_slice %arg3[%add3A_34] : memref<8192xi32, #tpu.memory_space<hbm>> -> memref<32xi32, #tpu.memory_space<hbm>>
      tpu.wait_dma2 semaphore(%run_scoped3A : memref<!tpu.dma_semaphore, #tpu.memory_space<semaphore_mem>>) src(%dma_wait3A_68 : memref<32xi32, #tpu.memory_space<hbm>>) dst(%arg5 : memref<32xi32, #tpu.memory_space<vmem>>)
      tpu.yield
    }) : () -> ()
    %dma_start3A_35 = arith.constant 0 : i32
    %dma_start3A_36 = arith.constant 0 : i32
    %dma_start3A_37 = tpu.memref_slice %arg2[%dma_start3A_35, %dma_start3A_36] : memref<8192x1024xf32, #tpu.memory_space<hbm>> -> memref<8192x1024xf32, #tpu.memory_space<hbm>>
    tpu.enqueue_indirect_dma source(%dma_start3A_37 : memref<8192x1024xf32, #tpu.memory_space<hbm>>) target(%arg6 : memref<32x1024xf32, #tpu.memory_space<vmem>>) offsets(%arg5 : memref<32xi32, #tpu.memory_space<vmem>>) semaphore(%arg7 : memref<!tpu.dma_semaphore, #tpu.memory_space<semaphore_mem>>)
    %dma_wait3A_38 = arith.constant 0 : i32
    %dma_wait3A_39 = arith.constant 0 : i32
    %dma_wait3A_40 = tpu.memref_slice %arg2[%dma_wait3A_38, %dma_wait3A_39] : memref<8192x1024xf32, #tpu.memory_space<hbm>> -> memref<8192x1024xf32, #tpu.memory_space<hbm>>
    tpu.wait_indirect_dma semaphore(%arg7 : memref<!tpu.dma_semaphore, #tpu.memory_space<semaphore_mem>>) src(%dma_wait3A_40 : memref<8192x1024xf32, #tpu.memory_space<hbm>>) dst(%arg6 : memref<32x1024xf32, #tpu.memory_space<vmem>>)
    "tpu.region"() ({
      %run_scoped3A = tpu.sem_alloc : memref<!tpu.dma_semaphore, #tpu.memory_space<semaphore_mem>>
      %dma_start3A_65 = arith.constant 0 : i32
      %dma_start3A_66 = tpu.memref_slice %arg4[%add3A_34, %dma_start3A_65] : memref<8192x1024xf32, #tpu.memory_space<hbm>> -> memref<32x1024xf32, #tpu.memory_space<hbm>>
      %dma_start3A_67 = arith.constant 0 : i32
      %dma_start3A_68 = tpu.memref_slice %arg4[%add3A_34, %dma_start3A_67] : memref<8192x1024xf32, #tpu.memory_space<hbm>> -> memref<32x1024xf32, #tpu.memory_space<hbm>>
      tpu.enqueue_dma source(%arg6 : memref<32x1024xf32, #tpu.memory_space<vmem>>) target(%dma_start3A_68 : memref<32x1024xf32, #tpu.memory_space<hbm>>) target_semaphore(%run_scoped3A : memref<!tpu.dma_semaphore, #tpu.memory_space<semaphore_mem>>)
      %dma_wait3A_69 = arith.constant 0 : i32
      %dma_wait3A_70 = tpu.memref_slice %arg4[%add3A_34, %dma_wait3A_69] : memref<8192x1024xf32, #tpu.memory_space<hbm>> -> memref<32x1024xf32, #tpu.memory_space<hbm>>
      %dma_wait3A_71 = arith.constant 0 : i32
      %dma_wait3A_72 = tpu.memref_slice %arg4[%add3A_34, %dma_wait3A_71] : memref<8192x1024xf32, #tpu.memory_space<hbm>> -> memref<32x1024xf32, #tpu.memory_space<hbm>>
      tpu.wait_dma2 semaphore(%run_scoped3A : memref<!tpu.dma_semaphore, #tpu.memory_space<semaphore_mem>>) src(%arg6 : memref<32x1024xf32, #tpu.memory_space<vmem>>) dst(%dma_wait3A_72 : memref<32x1024xf32, #tpu.memory_space<hbm>>)
      tpu.yield
    }) : () -> ()
    %add3A_41 = arith.constant 160 : i32
    %add3A_42 = arith.addi %mul3A_2, %add3A_41 : i32
    "tpu.region"() ({
      %run_scoped3A = tpu.sem_alloc : memref<!tpu.dma_semaphore, #tpu.memory_space<semaphore_mem>>
      %dma_start3A_65 = tpu.memref_slice %arg3[%add3A_42] : memref<8192xi32, #tpu.memory_space<hbm>> -> memref<32xi32, #tpu.memory_space<hbm>>
      %dma_start3A_66 = tpu.memref_slice %arg3[%add3A_42] : memref<8192xi32, #tpu.memory_space<hbm>> -> memref<32xi32, #tpu.memory_space<hbm>>
      tpu.enqueue_dma source(%dma_start3A_66 : memref<32xi32, #tpu.memory_space<hbm>>) target(%arg5 : memref<32xi32, #tpu.memory_space<vmem>>) target_semaphore(%run_scoped3A : memref<!tpu.dma_semaphore, #tpu.memory_space<semaphore_mem>>)
      %dma_wait3A_67 = tpu.memref_slice %arg3[%add3A_42] : memref<8192xi32, #tpu.memory_space<hbm>> -> memref<32xi32, #tpu.memory_space<hbm>>
      %dma_wait3A_68 = tpu.memref_slice %arg3[%add3A_42] : memref<8192xi32, #tpu.memory_space<hbm>> -> memref<32xi32, #tpu.memory_space<hbm>>
      tpu.wait_dma2 semaphore(%run_scoped3A : memref<!tpu.dma_semaphore, #tpu.memory_space<semaphore_mem>>) src(%dma_wait3A_68 : memref<32xi32, #tpu.memory_space<hbm>>) dst(%arg5 : memref<32xi32, #tpu.memory_space<vmem>>)
      tpu.yield
    }) : () -> ()
    %dma_start3A_43 = arith.constant 0 : i32
    %dma_start3A_44 = arith.constant 0 : i32
    %dma_start3A_45 = tpu.memref_slice %arg2[%dma_start3A_43, %dma_start3A_44] : memref<8192x1024xf32, #tpu.memory_space<hbm>> -> memref<8192x1024xf32, #tpu.memory_space<hbm>>
    tpu.enqueue_indirect_dma source(%dma_start3A_45 : memref<8192x1024xf32, #tpu.memory_space<hbm>>) target(%arg6 : memref<32x1024xf32, #tpu.memory_space<vmem>>) offsets(%arg5 : memref<32xi32, #tpu.memory_space<vmem>>) semaphore(%arg7 : memref<!tpu.dma_semaphore, #tpu.memory_space<semaphore_mem>>)
    %dma_wait3A_46 = arith.constant 0 : i32
    %dma_wait3A_47 = arith.constant 0 : i32
    %dma_wait3A_48 = tpu.memref_slice %arg2[%dma_wait3A_46, %dma_wait3A_47] : memref<8192x1024xf32, #tpu.memory_space<hbm>> -> memref<8192x1024xf32, #tpu.memory_space<hbm>>
    tpu.wait_indirect_dma semaphore(%arg7 : memref<!tpu.dma_semaphore, #tpu.memory_space<semaphore_mem>>) src(%dma_wait3A_48 : memref<8192x1024xf32, #tpu.memory_space<hbm>>) dst(%arg6 : memref<32x1024xf32, #tpu.memory_space<vmem>>)
    "tpu.region"() ({
      %run_scoped3A = tpu.sem_alloc : memref<!tpu.dma_semaphore, #tpu.memory_space<semaphore_mem>>
      %dma_start3A_65 = arith.constant 0 : i32
      %dma_start3A_66 = tpu.memref_slice %arg4[%add3A_42, %dma_start3A_65] : memref<8192x1024xf32, #tpu.memory_space<hbm>> -> memref<32x1024xf32, #tpu.memory_space<hbm>>
      %dma_start3A_67 = arith.constant 0 : i32
      %dma_start3A_68 = tpu.memref_slice %arg4[%add3A_42, %dma_start3A_67] : memref<8192x1024xf32, #tpu.memory_space<hbm>> -> memref<32x1024xf32, #tpu.memory_space<hbm>>
      tpu.enqueue_dma source(%arg6 : memref<32x1024xf32, #tpu.memory_space<vmem>>) target(%dma_start3A_68 : memref<32x1024xf32, #tpu.memory_space<hbm>>) target_semaphore(%run_scoped3A : memref<!tpu.dma_semaphore, #tpu.memory_space<semaphore_mem>>)
      %dma_wait3A_69 = arith.constant 0 : i32
      %dma_wait3A_70 = tpu.memref_slice %arg4[%add3A_42, %dma_wait3A_69] : memref<8192x1024xf32, #tpu.memory_space<hbm>> -> memref<32x1024xf32, #tpu.memory_space<hbm>>
      %dma_wait3A_71 = arith.constant 0 : i32
      %dma_wait3A_72 = tpu.memref_slice %arg4[%add3A_42, %dma_wait3A_71] : memref<8192x1024xf32, #tpu.memory_space<hbm>> -> memref<32x1024xf32, #tpu.memory_space<hbm>>
      tpu.wait_dma2 semaphore(%run_scoped3A : memref<!tpu.dma_semaphore, #tpu.memory_space<semaphore_mem>>) src(%arg6 : memref<32x1024xf32, #tpu.memory_space<vmem>>) dst(%dma_wait3A_72 : memref<32x1024xf32, #tpu.memory_space<hbm>>)
      tpu.yield
    }) : () -> ()
    %add3A_49 = arith.constant 192 : i32
    %add3A_50 = arith.addi %mul3A_2, %add3A_49 : i32
    "tpu.region"() ({
      %run_scoped3A = tpu.sem_alloc : memref<!tpu.dma_semaphore, #tpu.memory_space<semaphore_mem>>
      %dma_start3A_65 = tpu.memref_slice %arg3[%add3A_50] : memref<8192xi32, #tpu.memory_space<hbm>> -> memref<32xi32, #tpu.memory_space<hbm>>
      %dma_start3A_66 = tpu.memref_slice %arg3[%add3A_50] : memref<8192xi32, #tpu.memory_space<hbm>> -> memref<32xi32, #tpu.memory_space<hbm>>
      tpu.enqueue_dma source(%dma_start3A_66 : memref<32xi32, #tpu.memory_space<hbm>>) target(%arg5 : memref<32xi32, #tpu.memory_space<vmem>>) target_semaphore(%run_scoped3A : memref<!tpu.dma_semaphore, #tpu.memory_space<semaphore_mem>>)
      %dma_wait3A_67 = tpu.memref_slice %arg3[%add3A_50] : memref<8192xi32, #tpu.memory_space<hbm>> -> memref<32xi32, #tpu.memory_space<hbm>>
      %dma_wait3A_68 = tpu.memref_slice %arg3[%add3A_50] : memref<8192xi32, #tpu.memory_space<hbm>> -> memref<32xi32, #tpu.memory_space<hbm>>
      tpu.wait_dma2 semaphore(%run_scoped3A : memref<!tpu.dma_semaphore, #tpu.memory_space<semaphore_mem>>) src(%dma_wait3A_68 : memref<32xi32, #tpu.memory_space<hbm>>) dst(%arg5 : memref<32xi32, #tpu.memory_space<vmem>>)
      tpu.yield
    }) : () -> ()
    %dma_start3A_51 = arith.constant 0 : i32
    %dma_start3A_52 = arith.constant 0 : i32
    %dma_start3A_53 = tpu.memref_slice %arg2[%dma_start3A_51, %dma_start3A_52] : memref<8192x1024xf32, #tpu.memory_space<hbm>> -> memref<8192x1024xf32, #tpu.memory_space<hbm>>
    tpu.enqueue_indirect_dma source(%dma_start3A_53 : memref<8192x1024xf32, #tpu.memory_space<hbm>>) target(%arg6 : memref<32x1024xf32, #tpu.memory_space<vmem>>) offsets(%arg5 : memref<32xi32, #tpu.memory_space<vmem>>) semaphore(%arg7 : memref<!tpu.dma_semaphore, #tpu.memory_space<semaphore_mem>>)
    %dma_wait3A_54 = arith.constant 0 : i32
    %dma_wait3A_55 = arith.constant 0 : i32
    %dma_wait3A_56 = tpu.memref_slice %arg2[%dma_wait3A_54, %dma_wait3A_55] : memref<8192x1024xf32, #tpu.memory_space<hbm>> -> memref<8192x1024xf32, #tpu.memory_space<hbm>>
    tpu.wait_indirect_dma semaphore(%arg7 : memref<!tpu.dma_semaphore, #tpu.memory_space<semaphore_mem>>) src(%dma_wait3A_56 : memref<8192x1024xf32, #tpu.memory_space<hbm>>) dst(%arg6 : memref<32x1024xf32, #tpu.memory_space<vmem>>)
    "tpu.region"() ({
      %run_scoped3A = tpu.sem_alloc : memref<!tpu.dma_semaphore, #tpu.memory_space<semaphore_mem>>
      %dma_start3A_65 = arith.constant 0 : i32
      %dma_start3A_66 = tpu.memref_slice %arg4[%add3A_50, %dma_start3A_65] : memref<8192x1024xf32, #tpu.memory_space<hbm>> -> memref<32x1024xf32, #tpu.memory_space<hbm>>
      %dma_start3A_67 = arith.constant 0 : i32
      %dma_start3A_68 = tpu.memref_slice %arg4[%add3A_50, %dma_start3A_67] : memref<8192x1024xf32, #tpu.memory_space<hbm>> -> memref<32x1024xf32, #tpu.memory_space<hbm>>
      tpu.enqueue_dma source(%arg6 : memref<32x1024xf32, #tpu.memory_space<vmem>>) target(%dma_start3A_68 : memref<32x1024xf32, #tpu.memory_space<hbm>>) target_semaphore(%run_scoped3A : memref<!tpu.dma_semaphore, #tpu.memory_space<semaphore_mem>>)
      %dma_wait3A_69 = arith.constant 0 : i32
      %dma_wait3A_70 = tpu.memref_slice %arg4[%add3A_50, %dma_wait3A_69] : memref<8192x1024xf32, #tpu.memory_space<hbm>> -> memref<32x1024xf32, #tpu.memory_space<hbm>>
      %dma_wait3A_71 = arith.constant 0 : i32
      %dma_wait3A_72 = tpu.memref_slice %arg4[%add3A_50, %dma_wait3A_71] : memref<8192x1024xf32, #tpu.memory_space<hbm>> -> memref<32x1024xf32, #tpu.memory_space<hbm>>
      tpu.wait_dma2 semaphore(%run_scoped3A : memref<!tpu.dma_semaphore, #tpu.memory_space<semaphore_mem>>) src(%arg6 : memref<32x1024xf32, #tpu.memory_space<vmem>>) dst(%dma_wait3A_72 : memref<32x1024xf32, #tpu.memory_space<hbm>>)
      tpu.yield
    }) : () -> ()
    %add3A_57 = arith.constant 224 : i32
    %add3A_58 = arith.addi %mul3A_2, %add3A_57 : i32
    "tpu.region"() ({
      %run_scoped3A = tpu.sem_alloc : memref<!tpu.dma_semaphore, #tpu.memory_space<semaphore_mem>>
      %dma_start3A_65 = tpu.memref_slice %arg3[%add3A_58] : memref<8192xi32, #tpu.memory_space<hbm>> -> memref<32xi32, #tpu.memory_space<hbm>>
      %dma_start3A_66 = tpu.memref_slice %arg3[%add3A_58] : memref<8192xi32, #tpu.memory_space<hbm>> -> memref<32xi32, #tpu.memory_space<hbm>>
      tpu.enqueue_dma source(%dma_start3A_66 : memref<32xi32, #tpu.memory_space<hbm>>) target(%arg5 : memref<32xi32, #tpu.memory_space<vmem>>) target_semaphore(%run_scoped3A : memref<!tpu.dma_semaphore, #tpu.memory_space<semaphore_mem>>)
      %dma_wait3A_67 = tpu.memref_slice %arg3[%add3A_58] : memref<8192xi32, #tpu.memory_space<hbm>> -> memref<32xi32, #tpu.memory_space<hbm>>
      %dma_wait3A_68 = tpu.memref_slice %arg3[%add3A_58] : memref<8192xi32, #tpu.memory_space<hbm>> -> memref<32xi32, #tpu.memory_space<hbm>>
      tpu.wait_dma2 semaphore(%run_scoped3A : memref<!tpu.dma_semaphore, #tpu.memory_space<semaphore_mem>>) src(%dma_wait3A_68 : memref<32xi32, #tpu.memory_space<hbm>>) dst(%arg5 : memref<32xi32, #tpu.memory_space<vmem>>)
      tpu.yield
    }) : () -> ()
    %dma_start3A_59 = arith.constant 0 : i32
    %dma_start3A_60 = arith.constant 0 : i32
    %dma_start3A_61 = tpu.memref_slice %arg2[%dma_start3A_59, %dma_start3A_60] : memref<8192x1024xf32, #tpu.memory_space<hbm>> -> memref<8192x1024xf32, #tpu.memory_space<hbm>>
    tpu.enqueue_indirect_dma source(%dma_start3A_61 : memref<8192x1024xf32, #tpu.memory_space<hbm>>) target(%arg6 : memref<32x1024xf32, #tpu.memory_space<vmem>>) offsets(%arg5 : memref<32xi32, #tpu.memory_space<vmem>>) semaphore(%arg7 : memref<!tpu.dma_semaphore, #tpu.memory_space<semaphore_mem>>)
    %dma_wait3A_62 = arith.constant 0 : i32
    %dma_wait3A_63 = arith.constant 0 : i32
    %dma_wait3A_64 = tpu.memref_slice %arg2[%dma_wait3A_62, %dma_wait3A_63] : memref<8192x1024xf32, #tpu.memory_space<hbm>> -> memref<8192x1024xf32, #tpu.memory_space<hbm>>
    tpu.wait_indirect_dma semaphore(%arg7 : memref<!tpu.dma_semaphore, #tpu.memory_space<semaphore_mem>>) src(%dma_wait3A_64 : memref<8192x1024xf32, #tpu.memory_space<hbm>>) dst(%arg6 : memref<32x1024xf32, #tpu.memory_space<vmem>>)
    "tpu.region"() ({
      %run_scoped3A = tpu.sem_alloc : memref<!tpu.dma_semaphore, #tpu.memory_space<semaphore_mem>>
      %dma_start3A_65 = arith.constant 0 : i32
      %dma_start3A_66 = tpu.memref_slice %arg4[%add3A_58, %dma_start3A_65] : memref<8192x1024xf32, #tpu.memory_space<hbm>> -> memref<32x1024xf32, #tpu.memory_space<hbm>>
      %dma_start3A_67 = arith.constant 0 : i32
      %dma_start3A_68 = tpu.memref_slice %arg4[%add3A_58, %dma_start3A_67] : memref<8192x1024xf32, #tpu.memory_space<hbm>> -> memref<32x1024xf32, #tpu.memory_space<hbm>>
      tpu.enqueue_dma source(%arg6 : memref<32x1024xf32, #tpu.memory_space<vmem>>) target(%dma_start3A_68 : memref<32x1024xf32, #tpu.memory_space<hbm>>) target_semaphore(%run_scoped3A : memref<!tpu.dma_semaphore, #tpu.memory_space<semaphore_mem>>)
      %dma_wait3A_69 = arith.constant 0 : i32
      %dma_wait3A_70 = tpu.memref_slice %arg4[%add3A_58, %dma_wait3A_69] : memref<8192x1024xf32, #tpu.memory_space<hbm>> -> memref<32x1024xf32, #tpu.memory_space<hbm>>
      %dma_wait3A_71 = arith.constant 0 : i32
      %dma_wait3A_72 = tpu.memref_slice %arg4[%add3A_58, %dma_wait3A_71] : memref<8192x1024xf32, #tpu.memory_space<hbm>> -> memref<32x1024xf32, #tpu.memory_space<hbm>>
      tpu.wait_dma2 semaphore(%run_scoped3A : memref<!tpu.dma_semaphore, #tpu.memory_space<semaphore_mem>>) src(%arg6 : memref<32x1024xf32, #tpu.memory_space<vmem>>) dst(%dma_wait3A_72 : memref<32x1024xf32, #tpu.memory_space<hbm>>)
      tpu.yield
    }) : () -> ()
    return
  }
}

</mosaic_0001>

<sc_bundles>
// kernel: kernel.3.cloned.1.call-start
scs
__scs_entry_jumppad:
0x0: {  	(pc) =	sbr.rel $0x88, $3  }
0x1: {  	(tag) =	ssettag $0x0;
	lr =	simm.s32 $0x1  }
0x2: {  	[smem:$0x3FA0] =	sst lr;
	_ =	strace $0xD0000000  }
0x3: {  	_ = 	snop  }
0x4: {  	_ = 	snop  }
0x5: {  	_ = 	snop  }
0x6: {  	_ = 	snop  }
0x7: {  	_ = 	snop  }
__scs_overlays_trampoline_lowered:
0x8: {  	[smem:$0x3FAF] =	sst s0  }
0x9: {  	[smem:$0x3FB0] =	sst s1  }
0xa: {  	[smem:$0x3FB1] =	sst s2  }
0xb: {  	[smem:$0x3FB2] =	sst s3  }
0xc: {  	[smem:$0x3FB3] =	sst s4  }
0xd: {  	[smem:$0x3FB4] =	sst s5  }
0xe: {  	[smem:$0x3FB5] =	sst s6  }
0xf: {  	[smem:$0x3FB6] =	sst s7  }
0x10: {  	[smem:$0x3FB7] =	sst s8  }
0x11: {  	[smem:$0x3FB8] =	sst s9;
	s0 =	simm.s32 @!p0 $0x0  }
0x12: {  	s1 =	sld [smem:$0x3F9E];
	s0 =	simm.s32 @p0 $0x1  }
0x13: {  	[smem:$0x3FB9] =	sst s0;
	s0 =	simm.s32 @!p1 $0x0  }
0x14: {  	s2 =	sld [smem:$0x3F9D];
	s0 =	simm.s32 @p1 $0x1  }
0x15: {  	[smem:$0x3FBA] =	sst s0;
	s0 =	simm.s32 @!p2 $0x0  }
0x16: {  	s3 =	sld [smem:$0x3FDB];
	s0 =	simm.s32 @p2 $0x1  }
0x17: {  	s4 =	simm.s32 $0x1BF5;
	[smem:$0x3FBC] =	sst s0  }
0x18: {  	s0 =	sld [smem:$0x3F9F];
	_ =	swait.ge [sflag:s4], $0x0  }
0x19: {  	s7 =	sld [smem:$0x3FA0]  }
0x1a: {  	s8 =	sadd.s32 $0xFFFFE003, lr  }
0x1b: {  	s9 =	sadd.s32 $0xFFFFFEF7, lr;
	s5 =	simm.s32 $0xFFFFFFFF;
	p2 =	slt.u32 s8, $0xFFFFF086  }
0x1c: {  	p1 =	slt.u32 s9, $0xF7A;
	s5 =	simm.s32 @!p2 $0x0  }
0x1d: {  	s5 =	simm.s32 @p1 $0x1;
	p0 =	seq.s32 s7, s2  }
0x1e: {  	s7 =	smul.u32 @!p0 $0xF7A, s2;
	p2 =	seq.s32 @!p0 s5, $0x0  }
0x1f: {  	s9 =	smul.u32 $0xF7A, s1;
	s8 =	simm.s32 @!p0 $0x1BF5;
	p2 =	por !p2, p0  }
0x20: {  	[sflag:s8] =	ssyncset.s32 @!p0 $0xFFFFF086;
	s6 =	sadd.s32 @!p0 s3, s7;
	s7 =	simm.s32 @!p0 $0x108  }
0x21: {  	s3 =	sadd.s32 s3, s9;
	s6 =	sadd.s32 @!p0 $0x88, s6;
	s7 =	simm.s32 @p2 $0x1082  }
0x22: {  	[simem:s7], [sflag:s8] =	dma.local @!p0 [hbm:s6], $0xF7A  }
0x23: {  	s9 =	sor.u32 $0xD0000000, s2;
	s6 =	simm.s32 $0x108;
	_ =	swait.ge @!p0 [sflag:s8], $0x0  }
0x24: {  	s3 =	sadd.s32 $0x88, s3;
	s6 =	simm.s32 @!p1 $0x1082;
	[sflag:s4] =	ssyncset.s32 $0xFFFFF086  }
0x25: {  	[simem:s6], [sflag:s4] =	dma.local [hbm:s3], $0xF7A  }
0x26: {  	[smem:$0x3FA0] =	sst s1;
	(tag) =	ssettag s2;
	_ =	strace s9  }
0x27: {  	s1 =	sld [smem:$0x3FB0]  }
0x28: {  	s2 =	sld [smem:$0x3FB1]  }
0x29: {  	s4 =	sld [smem:$0x3FB3]  }
0x2a: {  	p0 =	seq.s32 s5, $0x0;
	s5 =	sld [smem:$0x3FB4]  }
0x2b: {  	s6 =	sld [smem:$0x3FB5]  }
0x2c: {  	s7 =	sld [smem:$0x3FB6]  }
0x2d: {  	s3 =	simm.s32 $0x108;
	s8 =	sld [smem:$0x3FB7]  }
0x2e: {  	s3 =	simm.s32 @!p0 $0x1082;
	s9 =	sld [smem:$0x3FB8]  }
0x2f: {  	lr =	sadd.s32 s0, s3;
	s0 =	sld [smem:$0x3FAF]  }
0x30: {  	s3 =	sld [smem:$0x3FB2]  }
0x31: {  	[smem:$0x3FBB] =	sst s10  }
0x32: {  	s10 =	sld [smem:$0x3FB9];
	_ =	sdelay $0x3  }
0x33: {  	p0 =	seq.s32 s10, $0x1;
	s10 =	sld [smem:$0x3FBB];
	_ =	sdelay $0x3  }
0x34: {  	[smem:$0x3FBB] =	sst s10  }
0x35: {  	s10 =	sld [smem:$0x3FBA];
	_ =	sdelay $0x3  }
0x36: {  	p1 =	seq.s32 s10, $0x1;
	s10 =	sld [smem:$0x3FBB];
	_ =	sdelay $0x3  }
0x37: {  	[smem:$0x3FBB] =	sst s10  }
0x38: {  	s10 =	sld [smem:$0x3FBC]  }
0x39: {  	_ = 	snop;
	(pc) =	sbr.ind lr, $3  }
0x3a: {  	_ = 	snop  }
0x3b: {  	_ = 	snop  }
0x3c: {  	p2 =	seq.s32 s10, $0x1;
	s10 =	sld [smem:$0x3FBB]  }
0x3d: {  	_ =	shalt  }
0x3e: {  	_ =	shalt  }
0x3f: {  	_ =	shalt  }
0x40: {  	_ =	shalt  }
0x41: {  	_ =	shalt  }
0x42: {  	_ =	shalt  }
0x43: {  	_ =	shalt  }
0x44: {  	_ =	shalt  }
0x45: {  	_ =	shalt  }
0x46: {  	_ =	shalt  }
0x47: {  	_ =	shalt  }
0x48: {  	_ =	shalt  }
0x49: {  	_ =	shalt  }
0x4a: {  	_ =	shalt  }
0x4b: {  	_ =	shalt  }
0x4c: {  	_ =	shalt  }
0x4d: {  	_ =	shalt  }
0x4e: {  	_ =	shalt  }
0x4f: {  	_ =	shalt  }
0x50: {  	_ =	shalt  }
0x51: {  	_ =	shalt  }
0x52: {  	_ =	shalt  }
0x53: {  	_ =	shalt  }
0x54: {  	_ =	shalt  }
0x55: {  	_ =	shalt  }
0x56: {  	_ =	shalt  }
0x57: {  	_ =	shalt  }
0x58: {  	_ =	shalt  }
0x59: {  	_ =	shalt  }
0x5a: {  	_ =	shalt  }
0x5b: {  	_ =	shalt  }
0x5c: {  	_ =	shalt  }
0x5d: {  	_ =	shalt  }
0x5e: {  	_ =	shalt  }
0x5f: {  	_ =	shalt  }
0x60: {  	_ =	shalt  }
0x61: {  	_ =	shalt  }
0x62: {  	_ =	shalt  }
0x63: {  	_ =	shalt  }
0x64: {  	_ =	shalt  }
0x65: {  	_ =	shalt  }
0x66: {  	_ =	shalt  }
0x67: {  	_ =	shalt  }
0x68: {  	_ =	shalt  }
0x69: {  	_ =	shalt  }
0x6a: {  	_ =	shalt  }
0x6b: {  	_ =	shalt  }
0x6c: {  	_ =	shalt  }
0x6d: {  	_ =	shalt  }
0x6e: {  	_ =	shalt  }
0x6f: {  	_ =	shalt  }
0x70: {  	_ =	shalt  }
0x71: {  	_ =	shalt  }
0x72: {  	_ =	shalt  }
0x73: {  	_ =	shalt  }
0x74: {  	_ =	shalt  }
0x75: {  	_ =	shalt  }
0x76: {  	_ =	shalt  }
0x77: {  	_ =	shalt  }
0x78: {  	_ =	shalt  }
0x79: {  	_ =	shalt  }
0x7a: {  	_ =	shalt  }
0x7b: {  	_ =	shalt  }
0x7c: {  	_ =	shalt  }
0x7d: {  	_ =	shalt  }
0x7e: {  	_ =	shalt  }
0x7f: {  	_ =	shalt  }
0x80: {  	_ =	shalt  }
0x81: {  	_ =	shalt  }
0x82: {  	_ =	shalt  }
0x83: {  	_ =	shalt  }
0x84: {  	_ =	shalt  }
0x85: {  	_ =	shalt  }
0x86: {  	_ =	shalt  }
0x87: {  	_ =	shalt  }
.Lfunc_end0:
.L_simem_size_0:
called_computation_lowered:
.L_overlay_start_0:
0x88: {  	s2 =	sld [smem:$0x3FD9]  }
0x89: {  	s3 =	sld [smem:$0x3FFE];
	_ =	sdelay $0x1  }
0x8a: {  	s1 =	srdreg.scid  }
0x8b: {  	s0 =	sand.u32 $0x1, s1  }
0x8c: {  	s17 =	sshll.u32 s0, $0xA;
	s2 =	sadd.s32 s3, s2  }
0x8d: {  	s2 =	sadd.s32 s2, s17  }
0x8e: {  	[smem:$0x3FC7] =	sst s2  }
0x8f: {  	_ = 	snop  }
0x90: {  	s2 =	sld [smem:$0x3FC9]  }
0x91: {  	s18 =	sld [smem:$0x3FD0];
	(tm) =	ssettm $0x1  }
0x92: {  	s4 =	sld [smem:$0x3FFB];
	_ =	sdelay $0x3  }
0x93: {  	_ =	strace s4  }
0x94: {  	s4 =	sld [smem:$0x3FFC];
	_ =	sdelay $0x3  }
0x95: {  	_ =	strace s4  }
0x96: {  	s4 =	sld [smem:$0x3FFD];
	_ =	sdelay $0x3  }
0x97: {  	_ =	strace s4  }
0x98: {  	_ =	strace $0x8FFFFFFF  }
0x99: {  	s19 =	sld [smem:$0x3FDB];
	_ =	sdelay $0x1  }
0x9a: {  	s5 =	simm.s32 $_scs_section_size  }
0x9b: {  	s6 =	simm.s32 $_size__tile_overlayer_lowered;
	s7 =	simm.s32 $_tile_overlayer_lowered  }
0x9c: {  	s22 =	simm.s32 $0x1BFF;
	s21 =	sshll.u32 s7, $0x1;
	s4 =	sadd.s32 s5, s19  }
0x9d: {  	s8 =	simm.s32 $0x0;
	s20 =	sshll.u32 s6, $0x1;
	s6 =	sadd.s32 s21, s4  }
0x9e: {  	[timem:s8], [sflag:s22] =	dma.local [hbm:s6], s20  }
0x9f: {  	_ =	swait.ge [sflag:s22], s20  }
0xa0: {  	s5 =	ssub.s32 $0x0, s20;
	[sflag:s22] =	ssyncset.done $0x0  }
0xa1: {  	[sflag:s22] =	ssyncadd.s32 s5;
	_ =	sdelay $0x1  }
0xa2: {  	s23 =	simm.s32 $0x1B8B  }
0xa3: {  	_ =	swait.ge [sflag:s23], $0x1  }
0xa4: {  	[sflag:s23] =	ssyncset.done $0x0  }
0xa5: {  	s25 =	simm.s32 $0x1B8E;
	s24 =	sld [smem:$0x3FFE];
	[sflag:s23] =	ssyncadd.s32 $0xFFFFFFFF  }
0xa6: {  	s26 =	simm.s32 $execute0_lowered;
	[smem:$0x3FD2] =	sst s25  }
0xa7: {  	s6 =	sshll.u32 s26, $0x1;
	_ =	strace $0x80000046;
	[dreg:$0x1] =	wrdreg $0xFFFFFFFF  }
0xa8: {  	s28 =	simm.s32 $_size_execute0_lowered;
	s4 =	sadd.s32 s4, s6;
	[dreg:$0x0] =	wrdreg $0x0  }
0xa9: {  	s6 =	sshll.u32 s28, $0x1;
	[dreg:$0x2] =	wrdreg s4  }
0xaa: {  	[dreg:$0x3] =	wrdreg s6  }
0xab: {  	[dreg:$0x4] =	wrdreg $0xC0  }
0xac: {  	_ =	task [dreg:s8], $0x5FFFF  }
0xad: {  	[dreg:$0x1] =	wrdreg $0xFFFFFFFF  }
0xae: {  	[dreg:$0x0] =	wrdreg $0x60  }
0xaf: {  	[dreg:$0x2] =	wrdreg s2  }
0xb0: {  	[dreg:$0x3] =	wrdreg s24  }
0xb1: {  	[dreg:$0x4] =	wrdreg s18  }
0xb2: {  	[dreg:$0x5] =	wrdreg $0x9  }
0xb3: {  	_ =	task.clear_ibuf [dreg:s8], $0x6FFFF;
	_ =	strace $0x90000046  }
0xb4: {  	s29 =	simm.s32 $0x9;
	_ =	strace $0x80000048  }
0xb5: {  	_ =	swait.ge [sflag:s29], $0x1  }
0xb6: {  	[sflag:s29] =	ssyncadd.s32 $0xFFFFFFFF  }
0xb7: {  	_ =	strace $0x90000048  }
0xb8: {  	_ =	sfence  }
0xb9: {  	s30 =	sld [smem:$0x0];
	_ =	sdelay $0x2  }
0xba: {  	s31 =	sshll.u32 s1, $0xD;
	s1 =	sshrl.u32 s1, $0x2  }
0xbb: {  	s3 =	sand.u32 $0x4000, s31;
	s1 =	sadd.s32 s1, s30  }
0xbc: {  	s0 =	sor.u32 s3, s0;
	s1 =	sshll.u32 s1, $0x11  }
0xbd: {  	s0 =	sor.u32 s1, s0  }
0xbe: {  	s0 =	sadd.s32 $0x8F2B, s0  }
0xbf: {  	[sflag:s0] =	ssyncadd.remote.s32 $0x1  }
0xc0: {  	_ =	sfence.sel $0xFFFF  }
0xc1: {  	[dreg:$0x0] =	wrdreg $0xFFFFFFFF;
	(pc) =	sbr.abs _section_cstart, $3  }
0xc2: {  	[dreg:$0x1] =	wrdreg $0xFFFFFFFF  }
0xc3: {  	_ =	task.clear_ibuf [dreg:s8], $0x2FFFF;
	_ =	strace $0x9FFFFFFF  }
0xc4: {  	(tm) =	ssettm $0x7FFFFFFF  }
0xc5: {  	_ =	shalt  }
tec
execute0_lowered:
.L_overlay_start_1:
0x0: {  	(tag) =	ssettag $0x1  }
0x1: {  	s1 =	rddreg [dreg:$0x0]  }
0x2: {  	s4 =	rddreg [dreg:$0x1]  }
0x3: {  	s0 =	rddreg [dreg:$0x2]  }
0x4: {  	s5 =	srdreg.scid;
	s3 =	simm.s32 $0x0;
	s2 =	stileid.u32  }
0x5: {  	s28 =	simm.s32 $0x6080;
	s29 =	simm.s32 $0x6880;
	s30 =	simm.s32 $0x7080  }
0x6: {  	s31 =	simm.s32 $0x7880;
	s5 =	sand.u32 $0x1, s5;
	[smem:$0x7FF] =	sst s3  }
0x7: {  	s6 =	sshll.u32 s2, $0x9;
	s11 =	sadd.s32 $0x400, s4;
	s7 =	sshll.u32 s5, $0x8  }
0x8: {  	_ =	strace $0x80000047;
	s25 =	ssub.s32 $0x2, s5;
	s10 =	sor.u32 s7, s6  }
0x9: {  	s2 =	sshrl.u32 s25, $0x1;
	s26 =	sshrl.u32 s10, $0x3;
	s7 =	sshll.u32 s10, $0x7  }
0xa: {  	s8 =	sor.u32 $0x20, s10;
	s13 =	ssub.s32 s25, s2;
	s14 =	sor.u32 $0x40, s10  }
0xb: {  	s19 =	sor.u32 $0x60, s10;
	s21 =	sor.u32 $0x80, s10;
	s24 =	sor.u32 $0xA0, s10  }
0xc: {  	s5 =	sadd.s32 s11, s26;
	s7 =	sadd.s32 s0, s7;
	s9 =	sshrl.u32 s8, $0x3  }
0xd: {  	s12 =	sshll.u32 s8, $0x7;
	s16 =	sshrl.u32 s14, $0x3;
	s18 =	sshll.u32 s14, $0x7  }
0xe: {  	s20 =	sshrl.u32 s19, $0x3;
	s6 =	sshll.u32 s19, $0x7;
	s23 =	sshrl.u32 s21, $0x3  }
0xf: {  	s8 =	sshrl.u32 s24, $0x3;
	s14 =	sor.u32 $0xE0, s10;
	[dreg:$0x4] =	wrdreg s5  }
0x10: {  	s13 =	smax.u32 s13, $0x1;
	s19 =	simm.s32 $0x2080;
	[dreg:$0x5] =	wrdreg s7  }
0x11: {  	s4 =	sadd.s32 s11, s9;
	s15 =	sadd.s32 s0, s12;
	s17 =	sadd.s32 s11, s16  }
0x12: {  	s5 =	sadd.s32 s0, s18;
	s22 =	sadd.s32 s0, s6;
	s6 =	sadd.s32 s11, s23  }
0x13: {  	s7 =	sshll.u32 s21, $0x7;
	s9 =	sshll.u32 s24, $0x7;
	[dreg:$0x6] =	wrdreg s4  }
0x14: {  	s12 =	sor.u32 $0xC0, s10;
	s26 =	sshrl.u32 s14, $0x3;
	[dreg:$0x7] =	wrdreg s15  }
0x15: {  	s14 =	sshll.u32 s14, $0x7;
	s16 =	simm.s32 $0x880;
	[dreg:$0x8] =	wrdreg s17  }
0x16: {  	s18 =	simm.s32 $0x1880;
	s21 =	simm.s32 $0x3080;
	[dreg:$0x9] =	wrdreg s5  }
0x17: {  	s23 =	simm.s32 $0x4080;
	s24 =	simm.s32 $0x4880;
	[dreg:$0xb] =	wrdreg s22  }
0x18: {  	s4 =	sadd.s32 $0x100, s1;
	s5 =	sadd.s32 s11, s20;
	[dreg:$0xc] =	wrdreg s6  }
0x19: {  	s7 =	sadd.s32 s0, s7;
	s6 =	sadd.s32 $0x300, s1;
	s25 =	sshrl.u32 s12, $0x3  }
0x1a: {  	s12 =	sshll.u32 s12, $0x7;
	s15 =	simm.s32 $0x80;
	s17 =	simm.s32 $0x1080  }
0x1b: {  	s20 =	simm.s32 $0x2880;
	s22 =	simm.s32 $0x3880;
	[dreg:$0xa] =	wrdreg s5  }
0x1c: {  	s5 =	sadd.s32 $0x200, s1;
	[dreg:$0xd] =	wrdreg s7;
	s7 =	sadd.s32 s11, s8  }
0x1d: {  	v2 =	vlaneseq.u32;
	s8 =	sadd.s32 s0, s9;
	s9 =	sadd.s32 s11, s25;
	s10 =	sadd.s32 s0, s12  }
0x1e: {  	vm0 =	vmmov $0xffff;
	v1 =	vshrl.u32 v2, $0x3;
	s11 =	sadd.s32 s11, s26;
	s12 =	sadd.s32 s0, s14;
	s14 =	simm.s32 $0x2  }
0x1f: {  	v0 =	vand.u32 $0x7, v2;
	v2 =	vor.u32 $0x8, v2;
	v1 =	vmul.u32 $0x8, v1;
	s25 =	simm.s32 $0x5080;
	s26 =	simm.s32 $0x5880;
	s0 =	simm.s32 $0x1  }
.LBB2_1:
0x20: {  	s2 =	rddreg [dreg:$0x4]  }
0x21: {  	[tilespmem:s3], [sflag:$0x2] =	stream.linear.gather [hbm4b:s2+s3], $0x20, $0x38;
	[tilespmem:$0x8080] =	vst v63  }
0x22: {  	_ =	swait.ge [sflag:s14], $0x20  }
0x23: {  	[sflag:s14] =	ssyncset.done $0x0  }
0x24: {  	[sflag:s14] =	ssyncadd.s32 $0xFFFFFFE0  }
0x25: {  	v3 =	vld [tilespmem:$0x0];
	_ =	sdelay $0x4  }
0x26: {  	v4 =	vshll.u32 v3, $0x3  }
0x27: {  	v3 =	vand.u32 $0x7, v3;
	v4 =	vand.u32 $0xFFFFFFC0, v4  }
0x28: {  	v3 =	vor.u32 v3, v4  }
0x29: {  	v4 =	vperm.xlane v3, v0;
	_ =	sdelay $0x1  }
0x2a: {  	v4 =	vadd.s32 v1, v4;
	_ =	sdelay $0x4  }
0x2b: {  	[tilespmem:s15], [sflag:$0x1] =	stream.indirect_vreg.gather [hbm4b:s1+s3], $0x80, v4, vm0, $0xb8;
	[tilespmem:$0x8080] =	vst v63  }
0x2c: {  	v3 =	vperm.xlane v3, v2  }
0x2d: {  	[tilespmem:s16], [sflag:$0x1] =	stream.indirect_vreg.gather [hbm4b:s4+s3], $0x80, v4, vm0, $0xb8;
	[tilespmem:$0x8080] =	vst v63  }
0x2e: {  	v3 =	vadd.s32 v1, v3  }
0x2f: {  	[tilespmem:s17], [sflag:$0x1] =	stream.indirect_vreg.gather [hbm4b:s5+s3], $0x80, v4, vm0, $0xb8;
	[tilespmem:$0x8080] =	vst v63  }
0x30: {  	_ = 	snop  }
0x31: {  	[tilespmem:s18], [sflag:$0x1] =	stream.indirect_vreg.gather [hbm4b:s6+s3], $0x80, v4, vm0, $0xb8;
	[tilespmem:$0x8080] =	vst v63  }
0x32: {  	_ = 	snop  }
0x33: {  	[tilespmem:s19], [sflag:$0x1] =	stream.indirect_vreg.gather [hbm4b:s1+s3], $0x80, v3, vm0, $0xb8;
	[tilespmem:$0x8080] =	vst v63  }
0x34: {  	_ = 	snop  }
0x35: {  	[tilespmem:s20], [sflag:$0x1] =	stream.indirect_vreg.gather [hbm4b:s4+s3], $0x80, v3, vm0, $0xb8;
	[tilespmem:$0x8080] =	vst v63  }
0x36: {  	_ = 	snop  }
0x37: {  	[tilespmem:s21], [sflag:$0x1] =	stream.indirect_vreg.gather [hbm4b:s5+s3], $0x80, v3, vm0, $0xb8;
	[tilespmem:$0x8080] =	vst v63  }
0x38: {  	_ = 	snop  }
0x39: {  	[tilespmem:s22], [sflag:$0x1] =	stream.indirect_vreg.gather [hbm4b:s6+s3], $0x80, v3, vm0, $0xb8;
	[tilespmem:$0x8080] =	vst v63  }
0x3a: {  	v3 =	vld [tilespmem:$0x10];
	_ =	sdelay $0x4  }
0x3b: {  	v49 =	vshll.u32 v3, $0x3  }
0x3c: {  	v3 =	vand.u32 $0x7, v3;
	v4 =	vand.u32 $0xFFFFFFC0, v49  }
0x3d: {  	v3 =	vor.u32 v3, v4  }
0x3e: {  	v4 =	vperm.xlane v3, v0;
	_ =	sdelay $0x1  }
0x3f: {  	v4 =	vadd.s32 v1, v4;
	_ =	sdelay $0x4  }
0x40: {  	[tilespmem:s23], [sflag:$0x1] =	stream.indirect_vreg.gather [hbm4b:s1+s3], $0x80, v4, vm0, $0xb8;
	[tilespmem:$0x8080] =	vst v63  }
0x41: {  	v3 =	vperm.xlane v3, v2  }
0x42: {  	[tilespmem:s24], [sflag:$0x1] =	stream.indirect_vreg.gather [hbm4b:s4+s3], $0x80, v4, vm0, $0xb8;
	[tilespmem:$0x8080] =	vst v63  }
0x43: {  	v3 =	vadd.s32 v1, v3  }
0x44: {  	[tilespmem:s25], [sflag:$0x1] =	stream.indirect_vreg.gather [hbm4b:s5+s3], $0x80, v4, vm0, $0xb8;
	[tilespmem:$0x8080] =	vst v63  }
0x45: {  	_ = 	snop  }
0x46: {  	[tilespmem:s26], [sflag:$0x1] =	stream.indirect_vreg.gather [hbm4b:s6+s3], $0x80, v4, vm0, $0xb8;
	[tilespmem:$0x8080] =	vst v63  }
0x47: {  	_ = 	snop  }
0x48: {  	[tilespmem:s28], [sflag:$0x1] =	stream.indirect_vreg.gather [hbm4b:s1+s3], $0x80, v3, vm0, $0xb8;
	[tilespmem:$0x8080] =	vst v63  }
0x49: {  	_ = 	snop  }
0x4a: {  	[tilespmem:s29], [sflag:$0x1] =	stream.indirect_vreg.gather [hbm4b:s4+s3], $0x80, v3, vm0, $0xb8;
	[tilespmem:$0x8080] =	vst v63  }
0x4b: {  	_ = 	snop  }
0x4c: {  	[tilespmem:s30], [sflag:$0x1] =	stream.indirect_vreg.gather [hbm4b:s5+s3], $0x80, v3, vm0, $0xb8;
	[tilespmem:$0x8080] =	vst v63  }
0x4d: {  	_ = 	snop  }
0x4e: {  	[tilespmem:s31], [sflag:$0x1] =	stream.indirect_vreg.gather [hbm4b:s6+s3], $0x80, v3, vm0, $0xb8;
	[tilespmem:$0x8080] =	vst v63  }
0x4f: {  	_ =	swait.ge [sflag:s0], $0x8000  }
0x50: {  	[sflag:s0] =	ssyncset.done $0x0  }
0x51: {  	s2 =	rddreg [dreg:$0x5];
	[sflag:s0] =	ssyncadd.s32 $0xFFFF8000  }
0x52: {  	[hbm4b:s2+s3] =	stream.linear.scatter [tilespmem:s15], [sflag:$0x2], $0x8000, $0x38;
	[tilespmem:$0x8080] =	vst v63  }
0x53: {  	_ =	swait.ge [sflag:s14], $0x8000  }
0x54: {  	[sflag:s14] =	ssyncset.done $0x0  }
0x55: {  	s2 =	rddreg [dreg:$0x6];
	[sflag:s14] =	ssyncadd.s32 $0xFFFF8000  }
0x56: {  	[tilespmem:s3], [sflag:$0x2] =	stream.linear.gather [hbm4b:s2+s3], $0x20, $0x38;
	[tilespmem:$0x8080] =	vst v63  }
0x57: {  	_ =	swait.ge [sflag:s14], $0x20  }
0x58: {  	[sflag:s14] =	ssyncset.done $0x0  }
0x59: {  	[sflag:s14] =	ssyncadd.s32 $0xFFFFFFE0  }
0x5a: {  	v3 =	vld [tilespmem:$0x0];
	_ =	sdelay $0x4  }
0x5b: {  	v50 =	vshll.u32 v3, $0x3  }
0x5c: {  	v3 =	vand.u32 $0x7, v3;
	v4 =	vand.u32 $0xFFFFFFC0, v50  }
0x5d: {  	v3 =	vor.u32 v3, v4  }
0x5e: {  	v4 =	vperm.xlane v3, v0;
	_ =	sdelay $0x1  }
0x5f: {  	v4 =	vadd.s32 v1, v4;
	_ =	sdelay $0x4  }
0x60: {  	[tilespmem:s15], [sflag:$0x1] =	stream.indirect_vreg.gather [hbm4b:s1+s3], $0x80, v4, vm0, $0xb8;
	[tilespmem:$0x8080] =	vst v63  }
0x61: {  	v3 =	vperm.xlane v3, v2  }
0x62: {  	[tilespmem:s16], [sflag:$0x1] =	stream.indirect_vreg.gather [hbm4b:s4+s3], $0x80, v4, vm0, $0xb8;
	[tilespmem:$0x8080] =	vst v63  }
0x63: {  	v3 =	vadd.s32 v1, v3  }
0x64: {  	[tilespmem:s17], [sflag:$0x1] =	stream.indirect_vreg.gather [hbm4b:s5+s3], $0x80, v4, vm0, $0xb8;
	[tilespmem:$0x8080] =	vst v63  }
0x65: {  	_ = 	snop  }
0x66: {  	[tilespmem:s18], [sflag:$0x1] =	stream.indirect_vreg.gather [hbm4b:s6+s3], $0x80, v4, vm0, $0xb8;
	[tilespmem:$0x8080] =	vst v63  }
0x67: {  	_ = 	snop  }
0x68: {  	[tilespmem:s19], [sflag:$0x1] =	stream.indirect_vreg.gather [hbm4b:s1+s3], $0x80, v3, vm0, $0xb8;
	[tilespmem:$0x8080] =	vst v63  }
0x69: {  	_ = 	snop  }
0x6a: {  	[tilespmem:s20], [sflag:$0x1] =	stream.indirect_vreg.gather [hbm4b:s4+s3], $0x80, v3, vm0, $0xb8;
	[tilespmem:$0x8080] =	vst v63  }
0x6b: {  	_ = 	snop  }
0x6c: {  	[tilespmem:s21], [sflag:$0x1] =	stream.indirect_vreg.gather [hbm4b:s5+s3], $0x80, v3, vm0, $0xb8;
	[tilespmem:$0x8080] =	vst v63  }
0x6d: {  	_ = 	snop  }
0x6e: {  	[tilespmem:s22], [sflag:$0x1] =	stream.indirect_vreg.gather [hbm4b:s6+s3], $0x80, v3, vm0, $0xb8;
	[tilespmem:$0x8080] =	vst v63  }
0x6f: {  	v3 =	vld [tilespmem:$0x10];
	_ =	sdelay $0x4  }
0x70: {  	v51 =	vshll.u32 v3, $0x3  }
0x71: {  	v3 =	vand.u32 $0x7, v3;
	v4 =	vand.u32 $0xFFFFFFC0, v51  }
0x72: {  	v3 =	vor.u32 v3, v4  }
0x73: {  	v4 =	vperm.xlane v3, v0;
	_ =	sdelay $0x1  }
0x74: {  	v4 =	vadd.s32 v1, v4;
	_ =	sdelay $0x4  }
0x75: {  	[tilespmem:s23], [sflag:$0x1] =	stream.indirect_vreg.gather [hbm4b:s1+s3], $0x80, v4, vm0, $0xb8;
	[tilespmem:$0x8080] =	vst v63  }
0x76: {  	v3 =	vperm.xlane v3, v2  }
0x77: {  	[tilespmem:s24], [sflag:$0x1] =	stream.indirect_vreg.gather [hbm4b:s4+s3], $0x80, v4, vm0, $0xb8;
	[tilespmem:$0x8080] =	vst v63  }
0x78: {  	v3 =	vadd.s32 v1, v3  }
0x79: {  	[tilespmem:s25], [sflag:$0x1] =	stream.indirect_vreg.gather [hbm4b:s5+s3], $0x80, v4, vm0, $0xb8;
	[tilespmem:$0x8080] =	vst v63  }
0x7a: {  	_ = 	snop  }
0x7b: {  	[tilespmem:s26], [sflag:$0x1] =	stream.indirect_vreg.gather [hbm4b:s6+s3], $0x80, v4, vm0, $0xb8;
	[tilespmem:$0x8080] =	vst v63  }
0x7c: {  	_ = 	snop  }
0x7d: {  	[tilespmem:s28], [sflag:$0x1] =	stream.indirect_vreg.gather [hbm4b:s1+s3], $0x80, v3, vm0, $0xb8;
	[tilespmem:$0x8080] =	vst v63  }
0x7e: {  	_ = 	snop  }
0x7f: {  	[tilespmem:s29], [sflag:$0x1] =	stream.indirect_vreg.gather [hbm4b:s4+s3], $0x80, v3, vm0, $0xb8;
	[tilespmem:$0x8080] =	vst v63  }
0x80: {  	_ = 	snop  }
0x81: {  	[tilespmem:s30], [sflag:$0x1] =	stream.indirect_vreg.gather [hbm4b:s5+s3], $0x80, v3, vm0, $0xb8;
	[tilespmem:$0x8080] =	vst v63  }
0x82: {  	_ = 	snop  }
0x83: {  	[tilespmem:s31], [sflag:$0x1] =	stream.indirect_vreg.gather [hbm4b:s6+s3], $0x80, v3, vm0, $0xb8;
	[tilespmem:$0x8080] =	vst v63  }
0x84: {  	_ =	swait.ge [sflag:s0], $0x8000  }
0x85: {  	[sflag:s0] =	ssyncset.done $0x0  }
0x86: {  	s2 =	rddreg [dreg:$0x7];
	[sflag:s0] =	ssyncadd.s32 $0xFFFF8000  }
0x87: {  	[hbm4b:s2+s3] =	stream.linear.scatter [tilespmem:s15], [sflag:$0x2], $0x8000, $0x38;
	[tilespmem:$0x8080] =	vst v63  }
0x88: {  	_ =	swait.ge [sflag:s14], $0x8000  }
0x89: {  	[sflag:s14] =	ssyncset.done $0x0  }
0x8a: {  	s2 =	rddreg [dreg:$0x8];
	[sflag:s14] =	ssyncadd.s32 $0xFFFF8000  }
0x8b: {  	[tilespmem:s3], [sflag:$0x2] =	stream.linear.gather [hbm4b:s2+s3], $0x20, $0x38;
	[tilespmem:$0x8080] =	vst v63  }
0x8c: {  	_ =	swait.ge [sflag:s14], $0x20  }
0x8d: {  	[sflag:s14] =	ssyncset.done $0x0  }
0x8e: {  	[sflag:s14] =	ssyncadd.s32 $0xFFFFFFE0  }
0x8f: {  	v3 =	vld [tilespmem:$0x0];
	_ =	sdelay $0x4  }
0x90: {  	v52 =	vshll.u32 v3, $0x3  }
0x91: {  	v3 =	vand.u32 $0x7, v3;
	v4 =	vand.u32 $0xFFFFFFC0, v52  }
0x92: {  	v3 =	vor.u32 v3, v4  }
0x93: {  	v4 =	vperm.xlane v3, v0;
	_ =	sdelay $0x1  }
0x94: {  	v4 =	vadd.s32 v1, v4;
	_ =	sdelay $0x4  }
0x95: {  	[tilespmem:s15], [sflag:$0x1] =	stream.indirect_vreg.gather [hbm4b:s1+s3], $0x80, v4, vm0, $0xb8;
	[tilespmem:$0x8080] =	vst v63  }
0x96: {  	v3 =	vperm.xlane v3, v2  }
0x97: {  	[tilespmem:s16], [sflag:$0x1] =	stream.indirect_vreg.gather [hbm4b:s4+s3], $0x80, v4, vm0, $0xb8;
	[tilespmem:$0x8080] =	vst v63  }
0x98: {  	v3 =	vadd.s32 v1, v3  }
0x99: {  	[tilespmem:s17], [sflag:$0x1] =	stream.indirect_vreg.gather [hbm4b:s5+s3], $0x80, v4, vm0, $0xb8;
	[tilespmem:$0x8080] =	vst v63  }
0x9a: {  	_ = 	snop  }
0x9b: {  	[tilespmem:s18], [sflag:$0x1] =	stream.indirect_vreg.gather [hbm4b:s6+s3], $0x80, v4, vm0, $0xb8;
	[tilespmem:$0x8080] =	vst v63  }
0x9c: {  	_ = 	snop  }
0x9d: {  	[tilespmem:s19], [sflag:$0x1] =	stream.indirect_vreg.gather [hbm4b:s1+s3], $0x80, v3, vm0, $0xb8;
	[tilespmem:$0x8080] =	vst v63  }
0x9e: {  	_ = 	snop  }
0x9f: {  	[tilespmem:s20], [sflag:$0x1] =	stream.indirect_vreg.gather [hbm4b:s4+s3], $0x80, v3, vm0, $0xb8;
	[tilespmem:$0x8080] =	vst v63  }
0xa0: {  	_ = 	snop  }
0xa1: {  	[tilespmem:s21], [sflag:$0x1] =	stream.indirect_vreg.gather [hbm4b:s5+s3], $0x80, v3, vm0, $0xb8;
	[tilespmem:$0x8080] =	vst v63  }
0xa2: {  	_ = 	snop  }
0xa3: {  	[tilespmem:s22], [sflag:$0x1] =	stream.indirect_vreg.gather [hbm4b:s6+s3], $0x80, v3, vm0, $0xb8;
	[tilespmem:$0x8080] =	vst v63  }
0xa4: {  	v3 =	vld [tilespmem:$0x10];
	_ =	sdelay $0x4  }
0xa5: {  	v53 =	vshll.u32 v3, $0x3  }
0xa6: {  	v3 =	vand.u32 $0x7, v3;
	v4 =	vand.u32 $0xFFFFFFC0, v53  }
0xa7: {  	v3 =	vor.u32 v3, v4  }
0xa8: {  	v4 =	vperm.xlane v3, v0;
	_ =	sdelay $0x1  }
0xa9: {  	v4 =	vadd.s32 v1, v4;
	_ =	sdelay $0x4  }
0xaa: {  	[tilespmem:s23], [sflag:$0x1] =	stream.indirect_vreg.gather [hbm4b:s1+s3], $0x80, v4, vm0, $0xb8;
	[tilespmem:$0x8080] =	vst v63  }
0xab: {  	v3 =	vperm.xlane v3, v2  }
0xac: {  	[tilespmem:s24], [sflag:$0x1] =	stream.indirect_vreg.gather [hbm4b:s4+s3], $0x80, v4, vm0, $0xb8;
	[tilespmem:$0x8080] =	vst v63  }
0xad: {  	v3 =	vadd.s32 v1, v3  }
0xae: {  	[tilespmem:s25], [sflag:$0x1] =	stream.indirect_vreg.gather [hbm4b:s5+s3], $0x80, v4, vm0, $0xb8;
	[tilespmem:$0x8080] =	vst v63  }
0xaf: {  	_ = 	snop  }
0xb0: {  	[tilespmem:s26], [sflag:$0x1] =	stream.indirect_vreg.gather [hbm4b:s6+s3], $0x80, v4, vm0, $0xb8;
	[tilespmem:$0x8080] =	vst v63  }
0xb1: {  	_ = 	snop  }
0xb2: {  	[tilespmem:s28], [sflag:$0x1] =	stream.indirect_vreg.gather [hbm4b:s1+s3], $0x80, v3, vm0, $0xb8;
	[tilespmem:$0x8080] =	vst v63  }
0xb3: {  	_ = 	snop  }
0xb4: {  	[tilespmem:s29], [sflag:$0x1] =	stream.indirect_vreg.gather [hbm4b:s4+s3], $0x80, v3, vm0, $0xb8;
	[tilespmem:$0x8080] =	vst v63  }
0xb5: {  	_ = 	snop  }
0xb6: {  	[tilespmem:s30], [sflag:$0x1] =	stream.indirect_vreg.gather [hbm4b:s5+s3], $0x80, v3, vm0, $0xb8;
	[tilespmem:$0x8080] =	vst v63  }
0xb7: {  	_ = 	snop  }
0xb8: {  	[tilespmem:s31], [sflag:$0x1] =	stream.indirect_vreg.gather [hbm4b:s6+s3], $0x80, v3, vm0, $0xb8;
	[tilespmem:$0x8080] =	vst v63  }
0xb9: {  	_ =	swait.ge [sflag:s0], $0x8000  }
0xba: {  	[sflag:s0] =	ssyncset.done $0x0  }
0xbb: {  	s2 =	rddreg [dreg:$0x9];
	[sflag:s0] =	ssyncadd.s32 $0xFFFF8000  }
0xbc: {  	[hbm4b:s2+s3] =	stream.linear.scatter [tilespmem:s15], [sflag:$0x2], $0x8000, $0x38;
	[tilespmem:$0x8080] =	vst v63  }
0xbd: {  	_ =	swait.ge [sflag:s14], $0x8000  }
0xbe: {  	[sflag:s14] =	ssyncset.done $0x0  }
0xbf: {  	s2 =	rddreg [dreg:$0xa];
	[sflag:s14] =	ssyncadd.s32 $0xFFFF8000  }
0xc0: {  	[tilespmem:s3], [sflag:$0x2] =	stream.linear.gather [hbm4b:s2+s3], $0x20, $0x38;
	[tilespmem:$0x8080] =	vst v63  }
0xc1: {  	_ =	swait.ge [sflag:s14], $0x20  }
0xc2: {  	[sflag:s14] =	ssyncset.done $0x0  }
0xc3: {  	[sflag:s14] =	ssyncadd.s32 $0xFFFFFFE0  }
0xc4: {  	v3 =	vld [tilespmem:$0x0];
	_ =	sdelay $0x4  }
0xc5: {  	v54 =	vshll.u32 v3, $0x3  }
0xc6: {  	v3 =	vand.u32 $0x7, v3;
	v4 =	vand.u32 $0xFFFFFFC0, v54  }
0xc7: {  	v3 =	vor.u32 v3, v4  }
0xc8: {  	v4 =	vperm.xlane v3, v0;
	_ =	sdelay $0x1  }
0xc9: {  	v4 =	vadd.s32 v1, v4;
	_ =	sdelay $0x4  }
0xca: {  	[tilespmem:s15], [sflag:$0x1] =	stream.indirect_vreg.gather [hbm4b:s1+s3], $0x80, v4, vm0, $0xb8;
	[tilespmem:$0x8080] =	vst v63  }
0xcb: {  	v3 =	vperm.xlane v3, v2  }
0xcc: {  	[tilespmem:s16], [sflag:$0x1] =	stream.indirect_vreg.gather [hbm4b:s4+s3], $0x80, v4, vm0, $0xb8;
	[tilespmem:$0x8080] =	vst v63  }
0xcd: {  	v3 =	vadd.s32 v1, v3  }
0xce: {  	[tilespmem:s17], [sflag:$0x1] =	stream.indirect_vreg.gather [hbm4b:s5+s3], $0x80, v4, vm0, $0xb8;
	[tilespmem:$0x8080] =	vst v63  }
0xcf: {  	_ = 	snop  }
0xd0: {  	[tilespmem:s18], [sflag:$0x1] =	stream.indirect_vreg.gather [hbm4b:s6+s3], $0x80, v4, vm0, $0xb8;
	[tilespmem:$0x8080] =	vst v63  }
0xd1: {  	_ = 	snop  }
0xd2: {  	[tilespmem:s19], [sflag:$0x1] =	stream.indirect_vreg.gather [hbm4b:s1+s3], $0x80, v3, vm0, $0xb8;
	[tilespmem:$0x8080] =	vst v63  }
0xd3: {  	_ = 	snop  }
0xd4: {  	[tilespmem:s20], [sflag:$0x1] =	stream.indirect_vreg.gather [hbm4b:s4+s3], $0x80, v3, vm0, $0xb8;
	[tilespmem:$0x8080] =	vst v63  }
0xd5: {  	_ = 	snop  }
0xd6: {  	[tilespmem:s21], [sflag:$0x1] =	stream.indirect_vreg.gather [hbm4b:s5+s3], $0x80, v3, vm0, $0xb8;
	[tilespmem:$0x8080] =	vst v63  }
0xd7: {  	_ = 	snop  }
0xd8: {  	[tilespmem:s22], [sflag:$0x1] =	stream.indirect_vreg.gather [hbm4b:s6+s3], $0x80, v3, vm0, $0xb8;
	[tilespmem:$0x8080] =	vst v63  }
0xd9: {  	v3 =	vld [tilespmem:$0x10];
	_ =	sdelay $0x4  }
0xda: {  	v55 =	vshll.u32 v3, $0x3  }
0xdb: {  	v3 =	vand.u32 $0x7, v3;
	v4 =	vand.u32 $0xFFFFFFC0, v55  }
0xdc: {  	v3 =	vor.u32 v3, v4  }
0xdd: {  	v4 =	vperm.xlane v3, v0;
	_ =	sdelay $0x1  }
0xde: {  	v4 =	vadd.s32 v1, v4;
	_ =	sdelay $0x4  }
0xdf: {  	[tilespmem:s23], [sflag:$0x1] =	stream.indirect_vreg.gather [hbm4b:s1+s3], $0x80, v4, vm0, $0xb8;
	[tilespmem:$0x8080] =	vst v63  }
0xe0: {  	v3 =	vperm.xlane v3, v2  }
0xe1: {  	[tilespmem:s24], [sflag:$0x1] =	stream.indirect_vreg.gather [hbm4b:s4+s3], $0x80, v4, vm0, $0xb8;
	[tilespmem:$0x8080] =	vst v63  }
0xe2: {  	v3 =	vadd.s32 v1, v3  }
0xe3: {  	[tilespmem:s25], [sflag:$0x1] =	stream.indirect_vreg.gather [hbm4b:s5+s3], $0x80, v4, vm0, $0xb8;
	[tilespmem:$0x8080] =	vst v63  }
0xe4: {  	_ = 	snop  }
0xe5: {  	[tilespmem:s26], [sflag:$0x1] =	stream.indirect_vreg.gather [hbm4b:s6+s3], $0x80, v4, vm0, $0xb8;
	[tilespmem:$0x8080] =	vst v63  }
0xe6: {  	_ = 	snop  }
0xe7: {  	[tilespmem:s28], [sflag:$0x1] =	stream.indirect_vreg.gather [hbm4b:s1+s3], $0x80, v3, vm0, $0xb8;
	[tilespmem:$0x8080] =	vst v63  }
0xe8: {  	_ = 	snop  }
0xe9: {  	[tilespmem:s29], [sflag:$0x1] =	stream.indirect_vreg.gather [hbm4b:s4+s3], $0x80, v3, vm0, $0xb8;
	[tilespmem:$0x8080] =	vst v63  }
0xea: {  	_ = 	snop  }
0xeb: {  	[tilespmem:s30], [sflag:$0x1] =	stream.indirect_vreg.gather [hbm4b:s5+s3], $0x80, v3, vm0, $0xb8;
	[tilespmem:$0x8080] =	vst v63  }
0xec: {  	_ = 	snop  }
0xed: {  	[tilespmem:s31], [sflag:$0x1] =	stream.indirect_vreg.gather [hbm4b:s6+s3], $0x80, v3, vm0, $0xb8;
	[tilespmem:$0x8080] =	vst v63  }
0xee: {  	_ =	swait.ge [sflag:s0], $0x8000  }
0xef: {  	[sflag:s0] =	ssyncset.done $0x0  }
0xf0: {  	s2 =	rddreg [dreg:$0xb];
	[sflag:s0] =	ssyncadd.s32 $0xFFFF8000  }
0xf1: {  	[hbm4b:s2+s3] =	stream.linear.scatter [tilespmem:s15], [sflag:$0x2], $0x8000, $0x38;
	[tilespmem:$0x8080] =	vst v63  }
0xf2: {  	_ =	swait.ge [sflag:s14], $0x8000  }
0xf3: {  	[sflag:s14] =	ssyncset.done $0x0  }
0xf4: {  	s2 =	rddreg [dreg:$0xc];
	[sflag:s14] =	ssyncadd.s32 $0xFFFF8000  }
0xf5: {  	[tilespmem:s3], [sflag:$0x2] =	stream.linear.gather [hbm4b:s2+s3], $0x20, $0x38;
	[tilespmem:$0x8080] =	vst v63  }
0xf6: {  	_ =	swait.ge [sflag:s14], $0x20  }
0xf7: {  	[sflag:s14] =	ssyncset.done $0x0  }
0xf8: {  	[sflag:s14] =	ssyncadd.s32 $0xFFFFFFE0  }
0xf9: {  	v3 =	vld [tilespmem:$0x0];
	_ =	sdelay $0x4  }
0xfa: {  	v56 =	vshll.u32 v3, $0x3  }
0xfb: {  	v3 =	vand.u32 $0x7, v3;
	v4 =	vand.u32 $0xFFFFFFC0, v56  }
0xfc: {  	v3 =	vor.u32 v3, v4  }
0xfd: {  	v4 =	vperm.xlane v3, v0;
	_ =	sdelay $0x1  }
0xfe: {  	v4 =	vadd.s32 v1, v4;
	_ =	sdelay $0x4  }
0xff: {  	[tilespmem:s15], [sflag:$0x1] =	stream.indirect_vreg.gather [hbm4b:s1+s3], $0x80, v4, vm0, $0xb8;
	[tilespmem:$0x8080] =	vst v63  }
0x100: {  	v3 =	vperm.xlane v3, v2  }
0x101: {  	[tilespmem:s16], [sflag:$0x1] =	stream.indirect_vreg.gather [hbm4b:s4+s3], $0x80, v4, vm0, $0xb8;
	[tilespmem:$0x8080] =	vst v63  }
0x102: {  	v3 =	vadd.s32 v1, v3  }
0x103: {  	[tilespmem:s17], [sflag:$0x1] =	stream.indirect_vreg.gather [hbm4b:s5+s3], $0x80, v4, vm0, $0xb8;
	[tilespmem:$0x8080] =	vst v63  }
0x104: {  	_ = 	snop  }
0x105: {  	[tilespmem:s18], [sflag:$0x1] =	stream.indirect_vreg.gather [hbm4b:s6+s3], $0x80, v4, vm0, $0xb8;
	[tilespmem:$0x8080] =	vst v63  }
0x106: {  	_ = 	snop  }
0x107: {  	[tilespmem:s19], [sflag:$0x1] =	stream.indirect_vreg.gather [hbm4b:s1+s3], $0x80, v3, vm0, $0xb8;
	[tilespmem:$0x8080] =	vst v63  }
0x108: {  	_ = 	snop  }
0x109: {  	[tilespmem:s20], [sflag:$0x1] =	stream.indirect_vreg.gather [hbm4b:s4+s3], $0x80, v3, vm0, $0xb8;
	[tilespmem:$0x8080] =	vst v63  }
0x10a: {  	_ = 	snop  }
0x10b: {  	[tilespmem:s21], [sflag:$0x1] =	stream.indirect_vreg.gather [hbm4b:s5+s3], $0x80, v3, vm0, $0xb8;
	[tilespmem:$0x8080] =	vst v63  }
0x10c: {  	_ = 	snop  }
0x10d: {  	[tilespmem:s22], [sflag:$0x1] =	stream.indirect_vreg.gather [hbm4b:s6+s3], $0x80, v3, vm0, $0xb8;
	[tilespmem:$0x8080] =	vst v63  }
0x10e: {  	v3 =	vld [tilespmem:$0x10];
	_ =	sdelay $0x4  }
0x10f: {  	v57 =	vshll.u32 v3, $0x3  }
0x110: {  	v3 =	vand.u32 $0x7, v3;
	v4 =	vand.u32 $0xFFFFFFC0, v57  }
0x111: {  	v3 =	vor.u32 v3, v4  }
0x112: {  	v4 =	vperm.xlane v3, v0;
	_ =	sdelay $0x1  }
0x113: {  	v4 =	vadd.s32 v1, v4;
	_ =	sdelay $0x4  }
0x114: {  	[tilespmem:s23], [sflag:$0x1] =	stream.indirect_vreg.gather [hbm4b:s1+s3], $0x80, v4, vm0, $0xb8;
	[tilespmem:$0x8080] =	vst v63  }
0x115: {  	v3 =	vperm.xlane v3, v2  }
0x116: {  	[tilespmem:s24], [sflag:$0x1] =	stream.indirect_vreg.gather [hbm4b:s4+s3], $0x80, v4, vm0, $0xb8;
	[tilespmem:$0x8080] =	vst v63  }
0x117: {  	v3 =	vadd.s32 v1, v3  }
0x118: {  	[tilespmem:s25], [sflag:$0x1] =	stream.indirect_vreg.gather [hbm4b:s5+s3], $0x80, v4, vm0, $0xb8;
	[tilespmem:$0x8080] =	vst v63  }
0x119: {  	_ = 	snop  }
0x11a: {  	[tilespmem:s26], [sflag:$0x1] =	stream.indirect_vreg.gather [hbm4b:s6+s3], $0x80, v4, vm0, $0xb8;
	[tilespmem:$0x8080] =	vst v63  }
0x11b: {  	_ = 	snop  }
0x11c: {  	[tilespmem:s28], [sflag:$0x1] =	stream.indirect_vreg.gather [hbm4b:s1+s3], $0x80, v3, vm0, $0xb8;
	[tilespmem:$0x8080] =	vst v63  }
0x11d: {  	_ = 	snop  }
0x11e: {  	[tilespmem:s29], [sflag:$0x1] =	stream.indirect_vreg.gather [hbm4b:s4+s3], $0x80, v3, vm0, $0xb8;
	[tilespmem:$0x8080] =	vst v63  }
0x11f: {  	_ = 	snop  }
0x120: {  	[tilespmem:s30], [sflag:$0x1] =	stream.indirect_vreg.gather [hbm4b:s5+s3], $0x80, v3, vm0, $0xb8;
	[tilespmem:$0x8080] =	vst v63  }
0x121: {  	_ = 	snop  }
0x122: {  	[tilespmem:s31], [sflag:$0x1] =	stream.indirect_vreg.gather [hbm4b:s6+s3], $0x80, v3, vm0, $0xb8;
	[tilespmem:$0x8080] =	vst v63  }
0x123: {  	_ =	swait.ge [sflag:s0], $0x8000  }
0x124: {  	[sflag:s0] =	ssyncset.done $0x0  }
0x125: {  	s2 =	rddreg [dreg:$0xd];
	[sflag:s0] =	ssyncadd.s32 $0xFFFF8000  }
0x126: {  	[hbm4b:s2+s3] =	stream.linear.scatter [tilespmem:s15], [sflag:$0x2], $0x8000, $0x38;
	[tilespmem:$0x8080] =	vst v63  }
0x127: {  	_ =	swait.ge [sflag:s14], $0x8000  }
0x128: {  	[sflag:s14] =	ssyncset.done $0x0  }
0x129: {  	[sflag:s14] =	ssyncadd.s32 $0xFFFF8000  }
0x12a: {  	[tilespmem:s3], [sflag:$0x2] =	stream.linear.gather [hbm4b:s7+s3], $0x20, $0x38;
	[tilespmem:$0x8080] =	vst v63  }
0x12b: {  	_ =	swait.ge [sflag:s14], $0x20  }
0x12c: {  	[sflag:s14] =	ssyncset.done $0x0  }
0x12d: {  	[sflag:s14] =	ssyncadd.s32 $0xFFFFFFE0  }
0x12e: {  	v3 =	vld [tilespmem:$0x0];
	_ =	sdelay $0x4  }
0x12f: {  	v58 =	vshll.u32 v3, $0x3  }
0x130: {  	v3 =	vand.u32 $0x7, v3;
	v4 =	vand.u32 $0xFFFFFFC0, v58  }
0x131: {  	v3 =	vor.u32 v3, v4  }
0x132: {  	v4 =	vperm.xlane v3, v0;
	_ =	sdelay $0x1  }
0x133: {  	v4 =	vadd.s32 v1, v4;
	_ =	sdelay $0x4  }
0x134: {  	[tilespmem:s15], [sflag:$0x1] =	stream.indirect_vreg.gather [hbm4b:s1+s3], $0x80, v4, vm0, $0xb8;
	[tilespmem:$0x8080] =	vst v63  }
0x135: {  	v3 =	vperm.xlane v3, v2  }
0x136: {  	[tilespmem:s16], [sflag:$0x1] =	stream.indirect_vreg.gather [hbm4b:s4+s3], $0x80, v4, vm0, $0xb8;
	[tilespmem:$0x8080] =	vst v63  }
0x137: {  	v3 =	vadd.s32 v1, v3  }
0x138: {  	[tilespmem:s17], [sflag:$0x1] =	stream.indirect_vreg.gather [hbm4b:s5+s3], $0x80, v4, vm0, $0xb8;
	[tilespmem:$0x8080] =	vst v63  }
0x139: {  	_ = 	snop  }
0x13a: {  	[tilespmem:s18], [sflag:$0x1] =	stream.indirect_vreg.gather [hbm4b:s6+s3], $0x80, v4, vm0, $0xb8;
	[tilespmem:$0x8080] =	vst v63  }
0x13b: {  	_ = 	snop  }
0x13c: {  	[tilespmem:s19], [sflag:$0x1] =	stream.indirect_vreg.gather [hbm4b:s1+s3], $0x80, v3, vm0, $0xb8;
	[tilespmem:$0x8080] =	vst v63  }
0x13d: {  	_ = 	snop  }
0x13e: {  	[tilespmem:s20], [sflag:$0x1] =	stream.indirect_vreg.gather [hbm4b:s4+s3], $0x80, v3, vm0, $0xb8;
	[tilespmem:$0x8080] =	vst v63  }
0x13f: {  	_ = 	snop  }
0x140: {  	[tilespmem:s21], [sflag:$0x1] =	stream.indirect_vreg.gather [hbm4b:s5+s3], $0x80, v3, vm0, $0xb8;
	[tilespmem:$0x8080] =	vst v63  }
0x141: {  	_ = 	snop  }
0x142: {  	[tilespmem:s22], [sflag:$0x1] =	stream.indirect_vreg.gather [hbm4b:s6+s3], $0x80, v3, vm0, $0xb8;
	[tilespmem:$0x8080] =	vst v63  }
0x143: {  	v3 =	vld [tilespmem:$0x10];
	_ =	sdelay $0x4  }
0x144: {  	v59 =	vshll.u32 v3, $0x3  }
0x145: {  	v3 =	vand.u32 $0x7, v3;
	v4 =	vand.u32 $0xFFFFFFC0, v59  }
0x146: {  	v3 =	vor.u32 v3, v4  }
0x147: {  	v4 =	vperm.xlane v3, v0;
	_ =	sdelay $0x1  }
0x148: {  	v4 =	vadd.s32 v1, v4;
	_ =	sdelay $0x4  }
0x149: {  	[tilespmem:s23], [sflag:$0x1] =	stream.indirect_vreg.gather [hbm4b:s1+s3], $0x80, v4, vm0, $0xb8;
	[tilespmem:$0x8080] =	vst v63  }
0x14a: {  	v3 =	vperm.xlane v3, v2  }
0x14b: {  	[tilespmem:s24], [sflag:$0x1] =	stream.indirect_vreg.gather [hbm4b:s4+s3], $0x80, v4, vm0, $0xb8;
	[tilespmem:$0x8080] =	vst v63  }
0x14c: {  	v3 =	vadd.s32 v1, v3  }
0x14d: {  	[tilespmem:s25], [sflag:$0x1] =	stream.indirect_vreg.gather [hbm4b:s5+s3], $0x80, v4, vm0, $0xb8;
	[tilespmem:$0x8080] =	vst v63  }
0x14e: {  	_ = 	snop  }
0x14f: {  	[tilespmem:s26], [sflag:$0x1] =	stream.indirect_vreg.gather [hbm4b:s6+s3], $0x80, v4, vm0, $0xb8;
	[tilespmem:$0x8080] =	vst v63  }
0x150: {  	_ = 	snop  }
0x151: {  	[tilespmem:s28], [sflag:$0x1] =	stream.indirect_vreg.gather [hbm4b:s1+s3], $0x80, v3, vm0, $0xb8;
	[tilespmem:$0x8080] =	vst v63  }
0x152: {  	_ = 	snop  }
0x153: {  	[tilespmem:s29], [sflag:$0x1] =	stream.indirect_vreg.gather [hbm4b:s4+s3], $0x80, v3, vm0, $0xb8;
	[tilespmem:$0x8080] =	vst v63  }
0x154: {  	_ = 	snop  }
0x155: {  	[tilespmem:s30], [sflag:$0x1] =	stream.indirect_vreg.gather [hbm4b:s5+s3], $0x80, v3, vm0, $0xb8;
	[tilespmem:$0x8080] =	vst v63  }
0x156: {  	_ = 	snop  }
0x157: {  	[tilespmem:s31], [sflag:$0x1] =	stream.indirect_vreg.gather [hbm4b:s6+s3], $0x80, v3, vm0, $0xb8;
	[tilespmem:$0x8080] =	vst v63  }
0x158: {  	_ =	swait.ge [sflag:s0], $0x8000  }
0x159: {  	[sflag:s0] =	ssyncset.done $0x0  }
0x15a: {  	[sflag:s0] =	ssyncadd.s32 $0xFFFF8000  }
0x15b: {  	[hbm4b:s8+s3] =	stream.linear.scatter [tilespmem:s15], [sflag:$0x2], $0x8000, $0x38;
	[tilespmem:$0x8080] =	vst v63  }
0x15c: {  	_ =	swait.ge [sflag:s14], $0x8000  }
0x15d: {  	[sflag:s14] =	ssyncset.done $0x0  }
0x15e: {  	[sflag:s14] =	ssyncadd.s32 $0xFFFF8000  }
0x15f: {  	[tilespmem:s3], [sflag:$0x2] =	stream.linear.gather [hbm4b:s9+s3], $0x20, $0x38;
	[tilespmem:$0x8080] =	vst v63  }
0x160: {  	_ =	swait.ge [sflag:s14], $0x20  }
0x161: {  	[sflag:s14] =	ssyncset.done $0x0  }
0x162: {  	[sflag:s14] =	ssyncadd.s32 $0xFFFFFFE0  }
0x163: {  	v3 =	vld [tilespmem:$0x0];
	_ =	sdelay $0x4  }
0x164: {  	v60 =	vshll.u32 v3, $0x3  }
0x165: {  	v3 =	vand.u32 $0x7, v3;
	v4 =	vand.u32 $0xFFFFFFC0, v60  }
0x166: {  	v3 =	vor.u32 v3, v4  }
0x167: {  	v4 =	vperm.xlane v3, v0;
	_ =	sdelay $0x1  }
0x168: {  	v4 =	vadd.s32 v1, v4;
	_ =	sdelay $0x4  }
0x169: {  	[tilespmem:s15], [sflag:$0x1] =	stream.indirect_vreg.gather [hbm4b:s1+s3], $0x80, v4, vm0, $0xb8;
	[tilespmem:$0x8080] =	vst v63  }
0x16a: {  	v3 =	vperm.xlane v3, v2  }
0x16b: {  	[tilespmem:s16], [sflag:$0x1] =	stream.indirect_vreg.gather [hbm4b:s4+s3], $0x80, v4, vm0, $0xb8;
	[tilespmem:$0x8080] =	vst v63  }
0x16c: {  	v3 =	vadd.s32 v1, v3  }
0x16d: {  	[tilespmem:s17], [sflag:$0x1] =	stream.indirect_vreg.gather [hbm4b:s5+s3], $0x80, v4, vm0, $0xb8;
	[tilespmem:$0x8080] =	vst v63  }
0x16e: {  	_ = 	snop  }
0x16f: {  	[tilespmem:s18], [sflag:$0x1] =	stream.indirect_vreg.gather [hbm4b:s6+s3], $0x80, v4, vm0, $0xb8;
	[tilespmem:$0x8080] =	vst v63  }
0x170: {  	_ = 	snop  }
0x171: {  	[tilespmem:s19], [sflag:$0x1] =	stream.indirect_vreg.gather [hbm4b:s1+s3], $0x80, v3, vm0, $0xb8;
	[tilespmem:$0x8080] =	vst v63  }
0x172: {  	_ = 	snop  }
0x173: {  	[tilespmem:s20], [sflag:$0x1] =	stream.indirect_vreg.gather [hbm4b:s4+s3], $0x80, v3, vm0, $0xb8;
	[tilespmem:$0x8080] =	vst v63  }
0x174: {  	_ = 	snop  }
0x175: {  	[tilespmem:s21], [sflag:$0x1] =	stream.indirect_vreg.gather [hbm4b:s5+s3], $0x80, v3, vm0, $0xb8;
	[tilespmem:$0x8080] =	vst v63  }
0x176: {  	_ = 	snop  }
0x177: {  	[tilespmem:s22], [sflag:$0x1] =	stream.indirect_vreg.gather [hbm4b:s6+s3], $0x80, v3, vm0, $0xb8;
	[tilespmem:$0x8080] =	vst v63  }
0x178: {  	v3 =	vld [tilespmem:$0x10];
	_ =	sdelay $0x4  }
0x179: {  	v61 =	vshll.u32 v3, $0x3  }
0x17a: {  	v3 =	vand.u32 $0x7, v3;
	v4 =	vand.u32 $0xFFFFFFC0, v61  }
0x17b: {  	v3 =	vor.u32 v3, v4  }
0x17c: {  	v4 =	vperm.xlane v3, v0;
	_ =	sdelay $0x1  }
0x17d: {  	v4 =	vadd.s32 v1, v4;
	_ =	sdelay $0x4  }
0x17e: {  	[tilespmem:s23], [sflag:$0x1] =	stream.indirect_vreg.gather [hbm4b:s1+s3], $0x80, v4, vm0, $0xb8;
	[tilespmem:$0x8080] =	vst v63  }
0x17f: {  	v3 =	vperm.xlane v3, v2  }
0x180: {  	[tilespmem:s24], [sflag:$0x1] =	stream.indirect_vreg.gather [hbm4b:s4+s3], $0x80, v4, vm0, $0xb8;
	[tilespmem:$0x8080] =	vst v63  }
0x181: {  	v3 =	vadd.s32 v1, v3  }
0x182: {  	[tilespmem:s25], [sflag:$0x1] =	stream.indirect_vreg.gather [hbm4b:s5+s3], $0x80, v4, vm0, $0xb8;
	[tilespmem:$0x8080] =	vst v63  }
0x183: {  	_ = 	snop  }
0x184: {  	[tilespmem:s26], [sflag:$0x1] =	stream.indirect_vreg.gather [hbm4b:s6+s3], $0x80, v4, vm0, $0xb8;
	[tilespmem:$0x8080] =	vst v63  }
0x185: {  	_ = 	snop  }
0x186: {  	[tilespmem:s28], [sflag:$0x1] =	stream.indirect_vreg.gather [hbm4b:s1+s3], $0x80, v3, vm0, $0xb8;
	[tilespmem:$0x8080] =	vst v63  }
0x187: {  	_ = 	snop  }
0x188: {  	[tilespmem:s29], [sflag:$0x1] =	stream.indirect_vreg.gather [hbm4b:s4+s3], $0x80, v3, vm0, $0xb8;
	[tilespmem:$0x8080] =	vst v63  }
0x189: {  	_ = 	snop  }
0x18a: {  	[tilespmem:s30], [sflag:$0x1] =	stream.indirect_vreg.gather [hbm4b:s5+s3], $0x80, v3, vm0, $0xb8;
	[tilespmem:$0x8080] =	vst v63  }
0x18b: {  	_ = 	snop  }
0x18c: {  	[tilespmem:s31], [sflag:$0x1] =	stream.indirect_vreg.gather [hbm4b:s6+s3], $0x80, v3, vm0, $0xb8;
	[tilespmem:$0x8080] =	vst v63  }
0x18d: {  	_ =	swait.ge [sflag:s0], $0x8000  }
0x18e: {  	[sflag:s0] =	ssyncset.done $0x0  }
0x18f: {  	[sflag:s0] =	ssyncadd.s32 $0xFFFF8000  }
0x190: {  	[hbm4b:s10+s3] =	stream.linear.scatter [tilespmem:s15], [sflag:$0x2], $0x8000, $0x38;
	[tilespmem:$0x8080] =	vst v63  }
0x191: {  	_ =	swait.ge [sflag:s14], $0x8000  }
0x192: {  	[sflag:s14] =	ssyncset.done $0x0  }
0x193: {  	[sflag:s14] =	ssyncadd.s32 $0xFFFF8000  }
0x194: {  	[tilespmem:s3], [sflag:$0x2] =	stream.linear.gather [hbm4b:s11+s3], $0x20, $0x38;
	[tilespmem:$0x8080] =	vst v63  }
0x195: {  	_ =	swait.ge [sflag:s14], $0x20  }
0x196: {  	[sflag:s14] =	ssyncset.done $0x0  }
0x197: {  	[sflag:s14] =	ssyncadd.s32 $0xFFFFFFE0  }
0x198: {  	v3 =	vld [tilespmem:$0x0];
	_ =	sdelay $0x4  }
0x199: {  	v62 =	vshll.u32 v3, $0x3  }
0x19a: {  	v3 =	vand.u32 $0x7, v3;
	v4 =	vand.u32 $0xFFFFFFC0, v62  }
0x19b: {  	v3 =	vor.u32 v3, v4  }
0x19c: {  	v4 =	vperm.xlane v3, v0;
	_ =	sdelay $0x1  }
0x19d: {  	v4 =	vadd.s32 v1, v4;
	_ =	sdelay $0x4  }
0x19e: {  	[tilespmem:s15], [sflag:$0x1] =	stream.indirect_vreg.gather [hbm4b:s1+s3], $0x80, v4, vm0, $0xb8;
	[tilespmem:$0x8080] =	vst v63  }
0x19f: {  	v3 =	vperm.xlane v3, v2  }
0x1a0: {  	[tilespmem:s16], [sflag:$0x1] =	stream.indirect_vreg.gather [hbm4b:s4+s3], $0x80, v4, vm0, $0xb8;
	[tilespmem:$0x8080] =	vst v63  }
0x1a1: {  	v3 =	vadd.s32 v1, v3  }
0x1a2: {  	[tilespmem:s17], [sflag:$0x1] =	stream.indirect_vreg.gather [hbm4b:s5+s3], $0x80, v4, vm0, $0xb8;
	[tilespmem:$0x8080] =	vst v63  }
0x1a3: {  	_ = 	snop  }
0x1a4: {  	[tilespmem:s18], [sflag:$0x1] =	stream.indirect_vreg.gather [hbm4b:s6+s3], $0x80, v4, vm0, $0xb8;
	[tilespmem:$0x8080] =	vst v63  }
0x1a5: {  	_ = 	snop  }
0x1a6: {  	[tilespmem:s19], [sflag:$0x1] =	stream.indirect_vreg.gather [hbm4b:s1+s3], $0x80, v3, vm0, $0xb8;
	[tilespmem:$0x8080] =	vst v63  }
0x1a7: {  	_ = 	snop  }
0x1a8: {  	[tilespmem:s20], [sflag:$0x1] =	stream.indirect_vreg.gather [hbm4b:s4+s3], $0x80, v3, vm0, $0xb8;
	[tilespmem:$0x8080] =	vst v63  }
0x1a9: {  	_ = 	snop  }
0x1aa: {  	[tilespmem:s21], [sflag:$0x1] =	stream.indirect_vreg.gather [hbm4b:s5+s3], $0x80, v3, vm0, $0xb8;
	[tilespmem:$0x8080] =	vst v63  }
0x1ab: {  	_ = 	snop  }
0x1ac: {  	[tilespmem:s22], [sflag:$0x1] =	stream.indirect_vreg.gather [hbm4b:s6+s3], $0x80, v3, vm0, $0xb8;
	[tilespmem:$0x8080] =	vst v63  }
0x1ad: {  	v3 =	vld [tilespmem:$0x10];
	_ =	sdelay $0x4  }
0x1ae: {  	v63 =	vshll.u32 v3, $0x3  }
0x1af: {  	v3 =	vand.u32 $0x7, v3;
	v4 =	vand.u32 $0xFFFFFFC0, v63  }
0x1b0: {  	v3 =	vor.u32 v3, v4  }
0x1b1: {  	v4 =	vperm.xlane v3, v0;
	_ =	sdelay $0x1  }
0x1b2: {  	v4 =	vadd.s32 v1, v4;
	_ =	sdelay $0x4  }
0x1b3: {  	[tilespmem:s23], [sflag:$0x1] =	stream.indirect_vreg.gather [hbm4b:s1+s3], $0x80, v4, vm0, $0xb8;
	[tilespmem:$0x8080] =	vst v63  }
0x1b4: {  	v3 =	vperm.xlane v3, v2  }
0x1b5: {  	[tilespmem:s24], [sflag:$0x1] =	stream.indirect_vreg.gather [hbm4b:s4+s3], $0x80, v4, vm0, $0xb8;
	[tilespmem:$0x8080] =	vst v63  }
0x1b6: {  	v3 =	vadd.s32 v1, v3  }
0x1b7: {  	[tilespmem:s25], [sflag:$0x1] =	stream.indirect_vreg.gather [hbm4b:s5+s3], $0x80, v4, vm0, $0xb8;
	[tilespmem:$0x8080] =	vst v63  }
0x1b8: {  	_ = 	snop  }
0x1b9: {  	[tilespmem:s26], [sflag:$0x1] =	stream.indirect_vreg.gather [hbm4b:s6+s3], $0x80, v4, vm0, $0xb8;
	[tilespmem:$0x8080] =	vst v63  }
0x1ba: {  	_ = 	snop  }
0x1bb: {  	[tilespmem:s28], [sflag:$0x1] =	stream.indirect_vreg.gather [hbm4b:s1+s3], $0x80, v3, vm0, $0xb8;
	[tilespmem:$0x8080] =	vst v63  }
0x1bc: {  	_ = 	snop  }
0x1bd: {  	[tilespmem:s29], [sflag:$0x1] =	stream.indirect_vreg.gather [hbm4b:s4+s3], $0x80, v3, vm0, $0xb8;
	[tilespmem:$0x8080] =	vst v63  }
0x1be: {  	_ = 	snop  }
0x1bf: {  	[tilespmem:s30], [sflag:$0x1] =	stream.indirect_vreg.gather [hbm4b:s5+s3], $0x80, v3, vm0, $0xb8;
	[tilespmem:$0x8080] =	vst v63  }
0x1c0: {  	_ = 	snop  }
0x1c1: {  	[tilespmem:s31], [sflag:$0x1] =	stream.indirect_vreg.gather [hbm4b:s6+s3], $0x80, v3, vm0, $0xb8;
	[tilespmem:$0x8080] =	vst v63  }
0x1c2: {  	_ =	swait.ge [sflag:s0], $0x8000  }
0x1c3: {  	p0 =	sne.s32 s13, $0x1;
	[sflag:s0] =	ssyncset.done $0x0  }
.Ltmp0:
0x1c4: {  	[sflag:s0] =	ssyncadd.s32 $0xFFFF8000;
	(pc) =	sbr.rel @p0 .LBB2_1-.Ltmp0, $4  }
0x1c5: {  	[hbm4b:s12+s3] =	stream.linear.scatter [tilespmem:s15], [sflag:$0x2], $0x8000, $0x38;
	[tilespmem:$0x8080] =	vst v63  }
0x1c6: {  	_ =	swait.ge [sflag:s14], $0x8000  }
0x1c7: {  	[sflag:s14] =	ssyncset.done $0x0  }
0x1c8: {  	s13 =	sadd.s32 $0xFFFFFFFF, s13;
	[sflag:s14] =	ssyncadd.s32 $0xFFFF8000  }
0x1c9: {  	_ =	sfence.sel $0x180000  }
0x1ca: {  	[bflag:$0x0] =	sbarrier.arrive $0xFFFF  }
0x1cb: {  	_ =	strace $0x90000047  }
0x1cc: {  	s0 =	stileid.u32;
	[bflag:$0x2] =	sbarrier.arrive $0xFFFF  }
0x1cd: {  	p0 =	sne.s32 s0, $0x0;
	s0 =	rddreg [dreg:$0x3]  }
0x1ce: {  	s0 =	sadd.s32 @!p0 $0x100000, s0  }
0x1cf: {  	[sflag:s0] =	ssyncadd.tile.s32 @!p0 $0x1;
	_ =	shalt  }
.Lfunc_end2:
_tile_overlayer_lowered:
.L_overlay_start_2:
0x1d0: {  	(tag) =	ssettag $0x2  }
0x1d1: {  	s0 =	rddreg [dreg:$0x0];
	s2 =	stileid.u32  }
0x1d2: {  	s1 =	rddreg [dreg:$0x1];
	p0 =	sne.s32 s2, $0x0  }
0x1d3: {  	s3 =	rddreg [dreg:$0x2];
	[bflag:$0x3] =	sbarrier.arrive $0xFFFF;
	s2 =	simm.s32 @!p0 $0x1C02  }
0x1d4: {  	[timem:s3], [sflag:s2] =	dma.local @!p0 [hbm:s0], s1  }
0x1d5: {  	s0 =	simm.s32 @!p0 $0x2  }
0x1d6: {  	_ =	swait.ge @!p0 [sflag:s0], s1  }
0x1d7: {  	s1 =	ssub.s32 @!p0 $0x0, s1;
	[sflag:s0] =	ssyncset.done @!p0 $0x0  }
0x1d8: {  	[sflag:s0] =	ssyncadd.s32 @!p0 s1  }
0x1d9: {  	[bflag:$0x3] =	sbarrier.arrive $0xFFFF  }
0x1da: {  	_ =	shalt  }

</sc_bundles>
